<compile_context>
chip_gen: v7x
topology: tpu7x:2x2x1
jax: 0.10.2.dev20260603
libtpu: 0.0.44.dev20260713+nightly
codegen_flags: <defaults>
</compile_context>

<pallas_src>
import functools

import jax
import jax.numpy as jnp
from jax import lax
from jax.experimental import pallas as pl
from jax.experimental.pallas import tpu as pltpu
from jax.experimental.pallas import tpu_sc as plsc

_NC = 2
_NS = 16
_L = 16
_NW = _NC * _NS

_CHUNK = 16384
_NIN = 4
_NOUT = 2


@functools.lru_cache(maxsize=None)
def _make_bucketize(n: int):
    per_w = n // _NW
    n_chunks = per_w // _CHUNK
    assert per_w % _CHUNK == 0 and n % _NW == 0 and n_chunks % _NIN == 0
    assert per_w == _NS * _CHUNK

    mesh = plsc.VectorSubcoreMesh(
        core_axis_name="c", subcore_axis_name="s",
        num_cores=_NC, num_subcores=_NS)

    @functools.partial(
        pl.kernel,
        out_type=(jax.ShapeDtypeStruct((n,), jnp.int32),
                  jax.ShapeDtypeStruct((n,), jnp.float32)),
        mesh=mesh,
        scratch_types=(
            [pltpu.VMEM((_CHUNK,), jnp.float32)] * _NIN
            + [pltpu.VMEM((_CHUNK,), jnp.int32)] * _NOUT
            + [pltpu.VMEM((_CHUNK,), jnp.float32)]
            + [pltpu.VMEM_SHARED((per_w,), jnp.float32)]
            + [pltpu.SemaphoreType.DMA] * (_NIN + _NOUT + 2)
        ),
    )
    def bucketize(x_hbm, out_hbm, w_hbm, *refs):
        xvs = refs[:_NIN]
        bvs = refs[_NIN:_NIN + _NOUT]
        wv = refs[_NIN + _NOUT]
        wshared = refs[_NIN + _NOUT + 1]
        sems = refs[_NIN + _NOUT + 2:]
        sin = sems[:_NIN]
        sout = sems[_NIN:_NIN + _NOUT]
        sw = sems[_NIN + _NOUT]
        swf = sems[_NIN + _NOUT + 1]

        cid = lax.axis_index("c")
        sid = lax.axis_index("s")
        wid = sid * _NC + cid
        base = wid * per_w

        def in_copy(k, b):
            return pltpu.make_async_copy(
                x_hbm.at[pl.ds(base + k * _CHUNK, _CHUNK)], xvs[b], sin[b])

        def out_copy(k, b):
            return pltpu.make_async_copy(
                bvs[b], out_hbm.at[pl.ds(base + k * _CHUNK, _CHUNK)], sout[b])

        for b in range(_NIN):
            in_copy(b, b).start()

        @plsc.parallel_loop(0, _CHUNK // _L, unroll=8)
        def _(i):
            wv[pl.ds(i * _L, _L)] = jnp.full((_L,), 1.0, jnp.float32)

        pltpu.make_async_copy(
            wv, wshared.at[pl.ds(sid * _CHUNK, _CHUNK)], swf).start()
        pltpu.make_async_copy(
            wv, wshared.at[pl.ds(sid * _CHUNK, _CHUNK)], swf).wait()
        plsc.subcore_barrier()
        w_dma = pltpu.make_async_copy(
            wshared, w_hbm.at[pl.ds(base, per_w)], sw)
        w_dma.start()

        def chunk_body(j, carry):
            for ib in range(_NIN):
                k = j * _NIN + ib
                ob = ib % _NOUT
                in_copy(k, ib).wait()

                @pl.when(k >= _NOUT)
                def _():
                    out_copy(k, ob).wait()

                @plsc.parallel_loop(0, _CHUNK // _L, unroll=8)
                def _(i):
                    v = xvs[ib][pl.ds(i * _L, _L)]
                    bvs[ob][pl.ds(i * _L, _L)] = jnp.where(
                        v >= 0.0,
                        jnp.where(v >= 2.0, jnp.where(v >= 4.0, 3, 2), 1),
                        0)

                out_copy(k, ob).start()

                @pl.when(k + _NIN < n_chunks)
                def _():
                    in_copy(k + _NIN, ib).start()
            return carry

        lax.fori_loop(0, n_chunks // _NIN, chunk_body, 0)
        for k in range(n_chunks - _NOUT, n_chunks):
            out_copy(k, k % _NOUT).wait()
        w_dma.wait()

    return bucketize


def kernel(inputs):
    x = jnp.asarray(inputs, jnp.float32)
    n = x.shape[0]
    ids, weights = _make_bucketize(n)(x.reshape(n))
    return (ids.reshape(n, 1), weights.reshape(n, 1))

# --- scband reference (transcript-rebuilt; emitter-appended) ---
"""Pipeline reference for scband-my-model-87522843561175 (READ-ONLY COPY).

The authoritative reference and input builder live on the scoring server;
editing this copy changes nothing except your own understanding.
"""

import jax, jax.numpy as jnp
import numpy as np

N = 8388608

def setup_inputs(seed: int = 0) -> dict:
    key = jax.random.key(seed)
    # scale by 3 so values straddle the boundaries [0, 2, 4]
    inputs = jax.random.normal(key, (N, 1), dtype=jnp.float32) * 3.0
    return {"inputs": inputs}

def reference(inputs):
    # Faithful translation of the Keras model's call():
    # tf.bucketize(x, boundaries=[0,2,4]) == searchsorted(boundaries, x, side='right')
    boundaries = jnp.array([0.0, 2.0, 4.0], dtype=jnp.float32)
    x = jnp.asarray(inputs, dtype=jnp.float32)
    squeezed = jnp.squeeze(x, axis=-1)
    buckets = jnp.searchsorted(boundaries, squeezed, side='right').astype(jnp.int64)
    batch_size = x.shape[0]
    # sparse->dense round trip with indices [i, 0] and dense_shape [B, 1] is exactly a [B,1] reshape
    id_dense = buckets.reshape(batch_size, 1)
    weights_dense = jnp.ones((batch_size, 1), dtype=jnp.float32)
    return (id_dense, weights_dense)

if __name__ == "__main__":
    import jax
    _d = setup_inputs()
    print(jax.jit(kernel)(*tuple(_d.values())))

</pallas_src>

<mosaic_0001>
#map = affine_map<(d0, d1) -> (0)>
module attributes {stable_mosaic.version = 14 : i64} {
  func.func @bucketize(%arg0: i32, %arg1: i32, %arg2: memref<8388608xf32, #tpu.memory_space<hbm>>, %arg3: memref<8388608xi32, #tpu.memory_space<hbm>>, %arg4: memref<8388608xf32, #tpu.memory_space<hbm>>, %arg5: memref<16384xf32, #tpu.memory_space<vmem>>, %arg6: memref<16384xf32, #tpu.memory_space<vmem>>, %arg7: memref<16384xf32, #tpu.memory_space<vmem>>, %arg8: memref<16384xf32, #tpu.memory_space<vmem>>, %arg9: memref<16384xi32, #tpu.memory_space<vmem>>, %arg10: memref<16384xi32, #tpu.memory_space<vmem>>, %arg11: memref<16384xf32, #tpu.memory_space<vmem>>, %arg12: memref<262144xf32, #tpu.memory_space<vmem_shared>>, %arg13: memref<!tpu.dma_semaphore, #tpu.memory_space<semaphore_mem>>, %arg14: memref<!tpu.dma_semaphore, #tpu.memory_space<semaphore_mem>>, %arg15: memref<!tpu.dma_semaphore, #tpu.memory_space<semaphore_mem>>, %arg16: memref<!tpu.dma_semaphore, #tpu.memory_space<semaphore_mem>>, %arg17: memref<!tpu.dma_semaphore, #tpu.memory_space<semaphore_mem>>, %arg18: memref<!tpu.dma_semaphore, #tpu.memory_space<semaphore_mem>>, %arg19: memref<!tpu.dma_semaphore, #tpu.memory_space<semaphore_mem>>, %arg20: memref<!tpu.dma_semaphore, #tpu.memory_space<semaphore_mem>>) attributes {dimension_semantics = [#tpu.dimension_semantics<core_parallel>, #tpu.dimension_semantics<subcore_parallel>], iteration_bounds = array<i64: 2, 16>, scalar_prefetch = 0 : i64, scratch_operands = 16 : i64, tpu.core_type = #tpu.core_type<sc_vector_subcore>, window_params = [{transform_indices = #map}, {transform_indices = #map}, {transform_indices = #map}]} {
    %mul3A = arith.constant 2 : i32
    %mul3A_0 = arith.muli %arg1, %mul3A : i32
    %add3A = arith.addi %mul3A_0, %arg0 : i32
    %mul3A_1 = arith.constant 262144 : i32
    %mul3A_2 = arith.muli %add3A, %mul3A_1 : i32
    %add3A_3 = arith.constant 0 : i32
    %add3A_4 = arith.addi %mul3A_2, %add3A_3 : i32
    %dma_start3A = tpu.memref_slice %arg2[%add3A_4] : memref<8388608xf32, #tpu.memory_space<hbm>> -> memref<16384xf32, #tpu.memory_space<hbm>>
    %dma_start3A_5 = tpu.memref_slice %arg2[%add3A_4] : memref<8388608xf32, #tpu.memory_space<hbm>> -> memref<16384xf32, #tpu.memory_space<hbm>>
    tpu.enqueue_dma source(%dma_start3A_5 : memref<16384xf32, #tpu.memory_space<hbm>>) target(%arg5 : memref<16384xf32, #tpu.memory_space<vmem>>) target_semaphore(%arg13 : memref<!tpu.dma_semaphore, #tpu.memory_space<semaphore_mem>>)
    %add3A_6 = arith.constant 16384 : i32
    %add3A_7 = arith.addi %mul3A_2, %add3A_6 : i32
    %dma_start3A_8 = tpu.memref_slice %arg2[%add3A_7] : memref<8388608xf32, #tpu.memory_space<hbm>> -> memref<16384xf32, #tpu.memory_space<hbm>>
    %dma_start3A_9 = tpu.memref_slice %arg2[%add3A_7] : memref<8388608xf32, #tpu.memory_space<hbm>> -> memref<16384xf32, #tpu.memory_space<hbm>>
    tpu.enqueue_dma source(%dma_start3A_9 : memref<16384xf32, #tpu.memory_space<hbm>>) target(%arg6 : memref<16384xf32, #tpu.memory_space<vmem>>) target_semaphore(%arg14 : memref<!tpu.dma_semaphore, #tpu.memory_space<semaphore_mem>>)
    %add3A_10 = arith.constant 32768 : i32
    %add3A_11 = arith.addi %mul3A_2, %add3A_10 : i32
    %dma_start3A_12 = tpu.memref_slice %arg2[%add3A_11] : memref<8388608xf32, #tpu.memory_space<hbm>> -> memref<16384xf32, #tpu.memory_space<hbm>>
    %dma_start3A_13 = tpu.memref_slice %arg2[%add3A_11] : memref<8388608xf32, #tpu.memory_space<hbm>> -> memref<16384xf32, #tpu.memory_space<hbm>>
    tpu.enqueue_dma source(%dma_start3A_13 : memref<16384xf32, #tpu.memory_space<hbm>>) target(%arg7 : memref<16384xf32, #tpu.memory_space<vmem>>) target_semaphore(%arg15 : memref<!tpu.dma_semaphore, #tpu.memory_space<semaphore_mem>>)
    %add3A_14 = arith.constant 49152 : i32
    %add3A_15 = arith.addi %mul3A_2, %add3A_14 : i32
    %dma_start3A_16 = tpu.memref_slice %arg2[%add3A_15] : memref<8388608xf32, #tpu.memory_space<hbm>> -> memref<16384xf32, #tpu.memory_space<hbm>>
    %dma_start3A_17 = tpu.memref_slice %arg2[%add3A_15] : memref<8388608xf32, #tpu.memory_space<hbm>> -> memref<16384xf32, #tpu.memory_space<hbm>>
    tpu.enqueue_dma source(%dma_start3A_17 : memref<16384xf32, #tpu.memory_space<hbm>>) target(%arg8 : memref<16384xf32, #tpu.memory_space<vmem>>) target_semaphore(%arg16 : memref<!tpu.dma_semaphore, #tpu.memory_space<semaphore_mem>>)
    %parallel_loop3A = arith.constant 0 : i32
    %parallel_loop3A_18 = arith.constant 1024 : i32
    %parallel_loop3A_19 = arith.constant 1 : i32
    scf.for %parallel_loop3A_42 = %parallel_loop3A to %parallel_loop3A_18 step %parallel_loop3A_19  : i32 {
      %parallel_loop3A_43 = arith.constant 1.000000e+00 : f32
      %parallel_loop3A_44 = vector.broadcast %parallel_loop3A_43 : f32 to vector<16xf32>
      %parallel_loop3A_45 = arith.constant 16 : i32
      %parallel_loop3A_46 = arith.muli %parallel_loop3A_42, %parallel_loop3A_45 : i32
      %parallel_loop3A_47 = arith.index_cast %parallel_loop3A_46 : i32 to index
      %parallel_loop3A_48 = tpu.vector_load %arg11[%parallel_loop3A_47] {strides = array<i32>} : memref<16384xf32, #tpu.memory_space<vmem>>, vector<16xf32>,
      %parallel_loop3A_49 = vector.shape_cast %parallel_loop3A_48 : vector<16xf32> to vector<16xf32>
      %parallel_loop3A_50 = vector.shape_cast %parallel_loop3A_44 : vector<16xf32> to vector<16xf32>
      tpu.vector_store %arg11[%parallel_loop3A_47], %parallel_loop3A_50 {strides = array<i32>} : memref<16384xf32, #tpu.memory_space<vmem>>, vector<16xf32>,
    } {sc.loop_unroll_factor = 8 : i64, sc.parallel_access}
    %mul3A_20 = arith.constant 16384 : i32
    %mul3A_21 = arith.muli %arg1, %mul3A_20 : i32
    %dma_start3A_22 = tpu.memref_slice %arg12[%mul3A_21] : memref<262144xf32, #tpu.memory_space<vmem_shared>> -> memref<16384xf32, #tpu.memory_space<vmem_shared>>
    %dma_start3A_23 = tpu.memref_slice %arg12[%mul3A_21] : memref<262144xf32, #tpu.memory_space<vmem_shared>> -> memref<16384xf32, #tpu.memory_space<vmem_shared>>
    tpu.enqueue_dma source(%arg11 : memref<16384xf32, #tpu.memory_space<vmem>>) target(%dma_start3A_23 : memref<16384xf32, #tpu.memory_space<vmem_shared>>) target_semaphore(%arg20 : memref<!tpu.dma_semaphore, #tpu.memory_space<semaphore_mem>>)
    %mul3A_24 = arith.constant 16384 : i32
    %mul3A_25 = arith.muli %arg1, %mul3A_24 : i32
    %dma_wait3A = tpu.memref_slice %arg12[%mul3A_25] : memref<262144xf32, #tpu.memory_space<vmem_shared>> -> memref<16384xf32, #tpu.memory_space<vmem_shared>>
    %dma_wait3A_26 = tpu.memref_slice %arg12[%mul3A_25] : memref<262144xf32, #tpu.memory_space<vmem_shared>> -> memref<16384xf32, #tpu.memory_space<vmem_shared>>
    tpu.wait_dma2 semaphore(%arg20 : memref<!tpu.dma_semaphore, #tpu.memory_space<semaphore_mem>>) src(%arg11 : memref<16384xf32, #tpu.memory_space<vmem>>) dst(%dma_wait3A_26 : memref<16384xf32, #tpu.memory_space<vmem_shared>>)
    %barrier3A = arith.constant 0 : index
    tpu.barrier barrier_id(%barrier3A)
    %dma_start3A_27 = tpu.memref_slice %arg4[%mul3A_2] : memref<8388608xf32, #tpu.memory_space<hbm>> -> memref<262144xf32, #tpu.memory_space<hbm>>
    tpu.enqueue_dma source(%arg12 : memref<262144xf32, #tpu.memory_space<vmem_shared>>) target(%dma_start3A_27 : memref<262144xf32, #tpu.memory_space<hbm>>) target_semaphore(%arg19 : memref<!tpu.dma_semaphore, #tpu.memory_space<semaphore_mem>>)
    %scan3A = arith.constant 0 : i32
    %scan3A_28 = arith.constant 0 : i32
    %scan3A_29 = arith.constant 4 : i32
    %scan3A_30 = arith.addi %scan3A_28, %scan3A_29 : i32
    %scan3A_31 = arith.constant 1 : i32
    scf.for %scan3A_42 = %scan3A_28 to %scan3A_30 step %scan3A_31  : i32 {
      %mul3A_43 = arith.constant 4 : i32
      %mul3A_44 = arith.muli %scan3A_42, %mul3A_43 : i32
      %add3A_45 = arith.constant 0 : i32
      %add3A_46 = arith.addi %mul3A_44, %add3A_45 : i32
      %mul3A_47 = arith.constant 16384 : i32
      %mul3A_48 = arith.muli %add3A_46, %mul3A_47 : i32
      %add3A_49 = arith.addi %mul3A_2, %mul3A_48 : i32
      %dma_wait3A_50 = tpu.memref_slice %arg2[%add3A_49] : memref<8388608xf32, #tpu.memory_space<hbm>> -> memref<16384xf32, #tpu.memory_space<hbm>>
      %dma_wait3A_51 = tpu.memref_slice %arg2[%add3A_49] : memref<8388608xf32, #tpu.memory_space<hbm>> -> memref<16384xf32, #tpu.memory_space<hbm>>
      tpu.wait_dma2 semaphore(%arg13 : memref<!tpu.dma_semaphore, #tpu.memory_space<semaphore_mem>>) src(%dma_wait3A_51 : memref<16384xf32, #tpu.memory_space<hbm>>) dst(%arg5 : memref<16384xf32, #tpu.memory_space<vmem>>)
      %ge3A = arith.constant 2 : i32
      %ge3A_52 = arith.cmpi sge, %add3A_46, %ge3A : i32
      %convert_element_type3A = arith.extui %ge3A_52 : i1 to i32
      %cond3A = arith.constant 0 : i32
      %cond3A_53 = arith.cmpi ne, %convert_element_type3A, %cond3A : i32
      scf.if %cond3A_53 {
        %mul3A_155 = arith.constant 16384 : i32
        %mul3A_156 = arith.muli %add3A_46, %mul3A_155 : i32
        %add3A_157 = arith.addi %mul3A_2, %mul3A_156 : i32
        %dma_wait3A_158 = tpu.memref_slice %arg3[%add3A_157] : memref<8388608xi32, #tpu.memory_space<hbm>> -> memref<16384xi32, #tpu.memory_space<hbm>>
        %dma_wait3A_159 = tpu.memref_slice %arg3[%add3A_157] : memref<8388608xi32, #tpu.memory_space<hbm>> -> memref<16384xi32, #tpu.memory_space<hbm>>
        tpu.wait_dma2 semaphore(%arg17 : memref<!tpu.dma_semaphore, #tpu.memory_space<semaphore_mem>>) src(%arg9 : memref<16384xi32, #tpu.memory_space<vmem>>) dst(%dma_wait3A_159 : memref<16384xi32, #tpu.memory_space<hbm>>)
      } else {
      }
      %parallel_loop3A_54 = arith.constant 0 : i32
      %parallel_loop3A_55 = arith.constant 1024 : i32
      %parallel_loop3A_56 = arith.constant 1 : i32
      scf.for %parallel_loop3A_155 = %parallel_loop3A_54 to %parallel_loop3A_55 step %parallel_loop3A_56  : i32 {
        %parallel_loop3A_156 = arith.constant 16 : i32
        %parallel_loop3A_157 = arith.muli %parallel_loop3A_155, %parallel_loop3A_156 : i32
        %parallel_loop3A_158 = arith.index_cast %parallel_loop3A_157 : i32 to index
        %parallel_loop3A_159 = tpu.vector_load %arg5[%parallel_loop3A_158] {strides = array<i32>} : memref<16384xf32, #tpu.memory_space<vmem>>, vector<16xf32>,
        %parallel_loop3A_160 = vector.shape_cast %parallel_loop3A_159 : vector<16xf32> to vector<16xf32>
        %parallel_loop3A_161 = arith.constant 0.000000e+00 : f32
        %parallel_loop3A_162 = vector.broadcast %parallel_loop3A_161 : f32 to vector<16xf32>
        %parallel_loop3A_163 = arith.cmpf oge, %parallel_loop3A_160, %parallel_loop3A_162 : vector<16xf32>
        %parallel_loop3A_164 = arith.constant 2.000000e+00 : f32
        %parallel_loop3A_165 = vector.broadcast %parallel_loop3A_164 : f32 to vector<16xf32>
        %parallel_loop3A_166 = arith.cmpf oge, %parallel_loop3A_160, %parallel_loop3A_165 : vector<16xf32>
        %parallel_loop3A_167 = arith.constant 4.000000e+00 : f32
        %parallel_loop3A_168 = vector.broadcast %parallel_loop3A_167 : f32 to vector<16xf32>
        %parallel_loop3A_169 = arith.cmpf oge, %parallel_loop3A_160, %parallel_loop3A_168 : vector<16xf32>
        %parallel_loop3A_170 = arith.constant 3 : i32
        %parallel_loop3A_171 = arith.constant 2 : i32
        %parallel_loop3A_172 = vector.broadcast %parallel_loop3A_170 : i32 to vector<16xi32>
        %parallel_loop3A_173 = vector.broadcast %parallel_loop3A_171 : i32 to vector<16xi32>
        %parallel_loop3A_174 = arith.select %parallel_loop3A_169, %parallel_loop3A_172, %parallel_loop3A_173 : vector<16xi1>, vector<16xi32>
        %parallel_loop3A_175 = arith.constant 1 : i32
        %parallel_loop3A_176 = vector.broadcast %parallel_loop3A_175 : i32 to vector<16xi32>
        %parallel_loop3A_177 = arith.select %parallel_loop3A_166, %parallel_loop3A_174, %parallel_loop3A_176 : vector<16xi1>, vector<16xi32>
        %parallel_loop3A_178 = arith.constant 0 : i32
        %parallel_loop3A_179 = vector.broadcast %parallel_loop3A_178 : i32 to vector<16xi32>
        %parallel_loop3A_180 = arith.select %parallel_loop3A_163, %parallel_loop3A_177, %parallel_loop3A_179 : vector<16xi1>, vector<16xi32>
        %parallel_loop3A_181 = arith.constant 16 : i32
        %parallel_loop3A_182 = arith.muli %parallel_loop3A_155, %parallel_loop3A_181 : i32
        %parallel_loop3A_183 = arith.index_cast %parallel_loop3A_182 : i32 to index
        %parallel_loop3A_184 = tpu.vector_load %arg9[%parallel_loop3A_183] {strides = array<i32>} : memref<16384xi32, #tpu.memory_space<vmem>>, vector<16xi32>,
        %parallel_loop3A_185 = vector.shape_cast %parallel_loop3A_184 : vector<16xi32> to vector<16xi32>
        %parallel_loop3A_186 = vector.shape_cast %parallel_loop3A_180 : vector<16xi32> to vector<16xi32>
        tpu.vector_store %arg9[%parallel_loop3A_183], %parallel_loop3A_186 {strides = array<i32>} : memref<16384xi32, #tpu.memory_space<vmem>>, vector<16xi32>,
      } {sc.loop_unroll_factor = 8 : i64, sc.parallel_access}
      %mul3A_57 = arith.constant 16384 : i32
      %mul3A_58 = arith.muli %add3A_46, %mul3A_57 : i32
      %add3A_59 = arith.addi %mul3A_2, %mul3A_58 : i32
      %dma_start3A_60 = tpu.memref_slice %arg3[%add3A_59] : memref<8388608xi32, #tpu.memory_space<hbm>> -> memref<16384xi32, #tpu.memory_space<hbm>>
      %dma_start3A_61 = tpu.memref_slice %arg3[%add3A_59] : memref<8388608xi32, #tpu.memory_space<hbm>> -> memref<16384xi32, #tpu.memory_space<hbm>>
      tpu.enqueue_dma source(%arg9 : memref<16384xi32, #tpu.memory_space<vmem>>) target(%dma_start3A_61 : memref<16384xi32, #tpu.memory_space<hbm>>) target_semaphore(%arg17 : memref<!tpu.dma_semaphore, #tpu.memory_space<semaphore_mem>>)
      %add3A_62 = arith.constant 4 : i32
      %add3A_63 = arith.addi %add3A_46, %add3A_62 : i32
      %lt3A = arith.constant 16 : i32
      %lt3A_64 = arith.cmpi slt, %add3A_63, %lt3A : i32
      %convert_element_type3A_65 = arith.extui %lt3A_64 : i1 to i32
      %cond3A_66 = arith.constant 0 : i32
      %cond3A_67 = arith.cmpi ne, %convert_element_type3A_65, %cond3A_66 : i32
      scf.if %cond3A_67 {
        %add3A_155 = arith.constant 4 : i32
        %add3A_156 = arith.addi %add3A_46, %add3A_155 : i32
        %mul3A_157 = arith.constant 16384 : i32
        %mul3A_158 = arith.muli %add3A_156, %mul3A_157 : i32
        %add3A_159 = arith.addi %mul3A_2, %mul3A_158 : i32
        %dma_start3A_160 = tpu.memref_slice %arg2[%add3A_159] : memref<8388608xf32, #tpu.memory_space<hbm>> -> memref<16384xf32, #tpu.memory_space<hbm>>
        %dma_start3A_161 = tpu.memref_slice %arg2[%add3A_159] : memref<8388608xf32, #tpu.memory_space<hbm>> -> memref<16384xf32, #tpu.memory_space<hbm>>
        tpu.enqueue_dma source(%dma_start3A_161 : memref<16384xf32, #tpu.memory_space<hbm>>) target(%arg5 : memref<16384xf32, #tpu.memory_space<vmem>>) target_semaphore(%arg13 : memref<!tpu.dma_semaphore, #tpu.memory_space<semaphore_mem>>)
      } else {
      }
      %mul3A_68 = arith.constant 4 : i32
      %mul3A_69 = arith.muli %scan3A_42, %mul3A_68 : i32
      %add3A_70 = arith.constant 1 : i32
      %add3A_71 = arith.addi %mul3A_69, %add3A_70 : i32
      %mul3A_72 = arith.constant 16384 : i32
      %mul3A_73 = arith.muli %add3A_71, %mul3A_72 : i32
      %add3A_74 = arith.addi %mul3A_2, %mul3A_73 : i32
      %dma_wait3A_75 = tpu.memref_slice %arg2[%add3A_74] : memref<8388608xf32, #tpu.memory_space<hbm>> -> memref<16384xf32, #tpu.memory_space<hbm>>
      %dma_wait3A_76 = tpu.memref_slice %arg2[%add3A_74] : memref<8388608xf32, #tpu.memory_space<hbm>> -> memref<16384xf32, #tpu.memory_space<hbm>>
      tpu.wait_dma2 semaphore(%arg14 : memref<!tpu.dma_semaphore, #tpu.memory_space<semaphore_mem>>) src(%dma_wait3A_76 : memref<16384xf32, #tpu.memory_space<hbm>>) dst(%arg6 : memref<16384xf32, #tpu.memory_space<vmem>>)
      %ge3A_77 = arith.constant 2 : i32
      %ge3A_78 = arith.cmpi sge, %add3A_71, %ge3A_77 : i32
      %convert_element_type3A_79 = arith.extui %ge3A_78 : i1 to i32
      %cond3A_80 = arith.constant 0 : i32
      %cond3A_81 = arith.cmpi ne, %convert_element_type3A_79, %cond3A_80 : i32
      scf.if %cond3A_81 {
        %mul3A_155 = arith.constant 16384 : i32
        %mul3A_156 = arith.muli %add3A_71, %mul3A_155 : i32
        %add3A_157 = arith.addi %mul3A_2, %mul3A_156 : i32
        %dma_wait3A_158 = tpu.memref_slice %arg3[%add3A_157] : memref<8388608xi32, #tpu.memory_space<hbm>> -> memref<16384xi32, #tpu.memory_space<hbm>>
        %dma_wait3A_159 = tpu.memref_slice %arg3[%add3A_157] : memref<8388608xi32, #tpu.memory_space<hbm>> -> memref<16384xi32, #tpu.memory_space<hbm>>
        tpu.wait_dma2 semaphore(%arg18 : memref<!tpu.dma_semaphore, #tpu.memory_space<semaphore_mem>>) src(%arg10 : memref<16384xi32, #tpu.memory_space<vmem>>) dst(%dma_wait3A_159 : memref<16384xi32, #tpu.memory_space<hbm>>)
      } else {
      }
      %parallel_loop3A_82 = arith.constant 0 : i32
      %parallel_loop3A_83 = arith.constant 1024 : i32
      %parallel_loop3A_84 = arith.constant 1 : i32
      scf.for %parallel_loop3A_155 = %parallel_loop3A_82 to %parallel_loop3A_83 step %parallel_loop3A_84  : i32 {
        %parallel_loop3A_156 = arith.constant 16 : i32
        %parallel_loop3A_157 = arith.muli %parallel_loop3A_155, %parallel_loop3A_156 : i32
        %parallel_loop3A_158 = arith.index_cast %parallel_loop3A_157 : i32 to index
        %parallel_loop3A_159 = tpu.vector_load %arg6[%parallel_loop3A_158] {strides = array<i32>} : memref<16384xf32, #tpu.memory_space<vmem>>, vector<16xf32>,
        %parallel_loop3A_160 = vector.shape_cast %parallel_loop3A_159 : vector<16xf32> to vector<16xf32>
        %parallel_loop3A_161 = arith.constant 0.000000e+00 : f32
        %parallel_loop3A_162 = vector.broadcast %parallel_loop3A_161 : f32 to vector<16xf32>
        %parallel_loop3A_163 = arith.cmpf oge, %parallel_loop3A_160, %parallel_loop3A_162 : vector<16xf32>
        %parallel_loop3A_164 = arith.constant 2.000000e+00 : f32
        %parallel_loop3A_165 = vector.broadcast %parallel_loop3A_164 : f32 to vector<16xf32>
        %parallel_loop3A_166 = arith.cmpf oge, %parallel_loop3A_160, %parallel_loop3A_165 : vector<16xf32>
        %parallel_loop3A_167 = arith.constant 4.000000e+00 : f32
        %parallel_loop3A_168 = vector.broadcast %parallel_loop3A_167 : f32 to vector<16xf32>
        %parallel_loop3A_169 = arith.cmpf oge, %parallel_loop3A_160, %parallel_loop3A_168 : vector<16xf32>
        %parallel_loop3A_170 = arith.constant 3 : i32
        %parallel_loop3A_171 = arith.constant 2 : i32
        %parallel_loop3A_172 = vector.broadcast %parallel_loop3A_170 : i32 to vector<16xi32>
        %parallel_loop3A_173 = vector.broadcast %parallel_loop3A_171 : i32 to vector<16xi32>
        %parallel_loop3A_174 = arith.select %parallel_loop3A_169, %parallel_loop3A_172, %parallel_loop3A_173 : vector<16xi1>, vector<16xi32>
        %parallel_loop3A_175 = arith.constant 1 : i32
        %parallel_loop3A_176 = vector.broadcast %parallel_loop3A_175 : i32 to vector<16xi32>
        %parallel_loop3A_177 = arith.select %parallel_loop3A_166, %parallel_loop3A_174, %parallel_loop3A_176 : vector<16xi1>, vector<16xi32>
        %parallel_loop3A_178 = arith.constant 0 : i32
        %parallel_loop3A_179 = vector.broadcast %parallel_loop3A_178 : i32 to vector<16xi32>
        %parallel_loop3A_180 = arith.select %parallel_loop3A_163, %parallel_loop3A_177, %parallel_loop3A_179 : vector<16xi1>, vector<16xi32>
        %parallel_loop3A_181 = arith.constant 16 : i32
        %parallel_loop3A_182 = arith.muli %parallel_loop3A_155, %parallel_loop3A_181 : i32
        %parallel_loop3A_183 = arith.index_cast %parallel_loop3A_182 : i32 to index
        %parallel_loop3A_184 = tpu.vector_load %arg10[%parallel_loop3A_183] {strides = array<i32>} : memref<16384xi32, #tpu.memory_space<vmem>>, vector<16xi32>,
        %parallel_loop3A_185 = vector.shape_cast %parallel_loop3A_184 : vector<16xi32> to vector<16xi32>
        %parallel_loop3A_186 = vector.shape_cast %parallel_loop3A_180 : vector<16xi32> to vector<16xi32>
        tpu.vector_store %arg10[%parallel_loop3A_183], %parallel_loop3A_186 {strides = array<i32>} : memref<16384xi32, #tpu.memory_space<vmem>>, vector<16xi32>,
      } {sc.loop_unroll_factor = 8 : i64, sc.parallel_access}
      %mul3A_85 = arith.constant 16384 : i32
      %mul3A_86 = arith.muli %add3A_71, %mul3A_85 : i32
      %add3A_87 = arith.addi %mul3A_2, %mul3A_86 : i32
      %dma_start3A_88 = tpu.memref_slice %arg3[%add3A_87] : memref<8388608xi32, #tpu.memory_space<hbm>> -> memref<16384xi32, #tpu.memory_space<hbm>>
      %dma_start3A_89 = tpu.memref_slice %arg3[%add3A_87] : memref<8388608xi32, #tpu.memory_space<hbm>> -> memref<16384xi32, #tpu.memory_space<hbm>>
      tpu.enqueue_dma source(%arg10 : memref<16384xi32, #tpu.memory_space<vmem>>) target(%dma_start3A_89 : memref<16384xi32, #tpu.memory_space<hbm>>) target_semaphore(%arg18 : memref<!tpu.dma_semaphore, #tpu.memory_space<semaphore_mem>>)
      %add3A_90 = arith.constant 4 : i32
      %add3A_91 = arith.addi %add3A_71, %add3A_90 : i32
      %lt3A_92 = arith.constant 16 : i32
      %lt3A_93 = arith.cmpi slt, %add3A_91, %lt3A_92 : i32
      %convert_element_type3A_94 = arith.extui %lt3A_93 : i1 to i32
      %cond3A_95 = arith.constant 0 : i32
      %cond3A_96 = arith.cmpi ne, %convert_element_type3A_94, %cond3A_95 : i32
      scf.if %cond3A_96 {
        %add3A_155 = arith.constant 4 : i32
        %add3A_156 = arith.addi %add3A_71, %add3A_155 : i32
        %mul3A_157 = arith.constant 16384 : i32
        %mul3A_158 = arith.muli %add3A_156, %mul3A_157 : i32
        %add3A_159 = arith.addi %mul3A_2, %mul3A_158 : i32
        %dma_start3A_160 = tpu.memref_slice %arg2[%add3A_159] : memref<8388608xf32, #tpu.memory_space<hbm>> -> memref<16384xf32, #tpu.memory_space<hbm>>
        %dma_start3A_161 = tpu.memref_slice %arg2[%add3A_159] : memref<8388608xf32, #tpu.memory_space<hbm>> -> memref<16384xf32, #tpu.memory_space<hbm>>
        tpu.enqueue_dma source(%dma_start3A_161 : memref<16384xf32, #tpu.memory_space<hbm>>) target(%arg6 : memref<16384xf32, #tpu.memory_space<vmem>>) target_semaphore(%arg14 : memref<!tpu.dma_semaphore, #tpu.memory_space<semaphore_mem>>)
      } else {
      }
      %mul3A_97 = arith.constant 4 : i32
      %mul3A_98 = arith.muli %scan3A_42, %mul3A_97 : i32
      %add3A_99 = arith.constant 2 : i32
      %add3A_100 = arith.addi %mul3A_98, %add3A_99 : i32
      %mul3A_101 = arith.constant 16384 : i32
      %mul3A_102 = arith.muli %add3A_100, %mul3A_101 : i32
      %add3A_103 = arith.addi %mul3A_2, %mul3A_102 : i32
      %dma_wait3A_104 = tpu.memref_slice %arg2[%add3A_103] : memref<8388608xf32, #tpu.memory_space<hbm>> -> memref<16384xf32, #tpu.memory_space<hbm>>
      %dma_wait3A_105 = tpu.memref_slice %arg2[%add3A_103] : memref<8388608xf32, #tpu.memory_space<hbm>> -> memref<16384xf32, #tpu.memory_space<hbm>>
      tpu.wait_dma2 semaphore(%arg15 : memref<!tpu.dma_semaphore, #tpu.memory_space<semaphore_mem>>) src(%dma_wait3A_105 : memref<16384xf32, #tpu.memory_space<hbm>>) dst(%arg7 : memref<16384xf32, #tpu.memory_space<vmem>>)
      %ge3A_106 = arith.constant 2 : i32
      %ge3A_107 = arith.cmpi sge, %add3A_100, %ge3A_106 : i32
      %convert_element_type3A_108 = arith.extui %ge3A_107 : i1 to i32
      %cond3A_109 = arith.constant 0 : i32
      %cond3A_110 = arith.cmpi ne, %convert_element_type3A_108, %cond3A_109 : i32
      scf.if %cond3A_110 {
        %mul3A_155 = arith.constant 16384 : i32
        %mul3A_156 = arith.muli %add3A_100, %mul3A_155 : i32
        %add3A_157 = arith.addi %mul3A_2, %mul3A_156 : i32
        %dma_wait3A_158 = tpu.memref_slice %arg3[%add3A_157] : memref<8388608xi32, #tpu.memory_space<hbm>> -> memref<16384xi32, #tpu.memory_space<hbm>>
        %dma_wait3A_159 = tpu.memref_slice %arg3[%add3A_157] : memref<8388608xi32, #tpu.memory_space<hbm>> -> memref<16384xi32, #tpu.memory_space<hbm>>
        tpu.wait_dma2 semaphore(%arg17 : memref<!tpu.dma_semaphore, #tpu.memory_space<semaphore_mem>>) src(%arg9 : memref<16384xi32, #tpu.memory_space<vmem>>) dst(%dma_wait3A_159 : memref<16384xi32, #tpu.memory_space<hbm>>)
      } else {
      }
      %parallel_loop3A_111 = arith.constant 0 : i32
      %parallel_loop3A_112 = arith.constant 1024 : i32
      %parallel_loop3A_113 = arith.constant 1 : i32
      scf.for %parallel_loop3A_155 = %parallel_loop3A_111 to %parallel_loop3A_112 step %parallel_loop3A_113  : i32 {
        %parallel_loop3A_156 = arith.constant 16 : i32
        %parallel_loop3A_157 = arith.muli %parallel_loop3A_155, %parallel_loop3A_156 : i32
        %parallel_loop3A_158 = arith.index_cast %parallel_loop3A_157 : i32 to index
        %parallel_loop3A_159 = tpu.vector_load %arg7[%parallel_loop3A_158] {strides = array<i32>} : memref<16384xf32, #tpu.memory_space<vmem>>, vector<16xf32>,
        %parallel_loop3A_160 = vector.shape_cast %parallel_loop3A_159 : vector<16xf32> to vector<16xf32>
        %parallel_loop3A_161 = arith.constant 0.000000e+00 : f32
        %parallel_loop3A_162 = vector.broadcast %parallel_loop3A_161 : f32 to vector<16xf32>
        %parallel_loop3A_163 = arith.cmpf oge, %parallel_loop3A_160, %parallel_loop3A_162 : vector<16xf32>
        %parallel_loop3A_164 = arith.constant 2.000000e+00 : f32
        %parallel_loop3A_165 = vector.broadcast %parallel_loop3A_164 : f32 to vector<16xf32>
        %parallel_loop3A_166 = arith.cmpf oge, %parallel_loop3A_160, %parallel_loop3A_165 : vector<16xf32>
        %parallel_loop3A_167 = arith.constant 4.000000e+00 : f32
        %parallel_loop3A_168 = vector.broadcast %parallel_loop3A_167 : f32 to vector<16xf32>
        %parallel_loop3A_169 = arith.cmpf oge, %parallel_loop3A_160, %parallel_loop3A_168 : vector<16xf32>
        %parallel_loop3A_170 = arith.constant 3 : i32
        %parallel_loop3A_171 = arith.constant 2 : i32
        %parallel_loop3A_172 = vector.broadcast %parallel_loop3A_170 : i32 to vector<16xi32>
        %parallel_loop3A_173 = vector.broadcast %parallel_loop3A_171 : i32 to vector<16xi32>
        %parallel_loop3A_174 = arith.select %parallel_loop3A_169, %parallel_loop3A_172, %parallel_loop3A_173 : vector<16xi1>, vector<16xi32>
        %parallel_loop3A_175 = arith.constant 1 : i32
        %parallel_loop3A_176 = vector.broadcast %parallel_loop3A_175 : i32 to vector<16xi32>
        %parallel_loop3A_177 = arith.select %parallel_loop3A_166, %parallel_loop3A_174, %parallel_loop3A_176 : vector<16xi1>, vector<16xi32>
        %parallel_loop3A_178 = arith.constant 0 : i32
        %parallel_loop3A_179 = vector.broadcast %parallel_loop3A_178 : i32 to vector<16xi32>
        %parallel_loop3A_180 = arith.select %parallel_loop3A_163, %parallel_loop3A_177, %parallel_loop3A_179 : vector<16xi1>, vector<16xi32>
        %parallel_loop3A_181 = arith.constant 16 : i32
        %parallel_loop3A_182 = arith.muli %parallel_loop3A_155, %parallel_loop3A_181 : i32
        %parallel_loop3A_183 = arith.index_cast %parallel_loop3A_182 : i32 to index
        %parallel_loop3A_184 = tpu.vector_load %arg9[%parallel_loop3A_183] {strides = array<i32>} : memref<16384xi32, #tpu.memory_space<vmem>>, vector<16xi32>,
        %parallel_loop3A_185 = vector.shape_cast %parallel_loop3A_184 : vector<16xi32> to vector<16xi32>
        %parallel_loop3A_186 = vector.shape_cast %parallel_loop3A_180 : vector<16xi32> to vector<16xi32>
        tpu.vector_store %arg9[%parallel_loop3A_183], %parallel_loop3A_186 {strides = array<i32>} : memref<16384xi32, #tpu.memory_space<vmem>>, vector<16xi32>,
      } {sc.loop_unroll_factor = 8 : i64, sc.parallel_access}
      %mul3A_114 = arith.constant 16384 : i32
      %mul3A_115 = arith.muli %add3A_100, %mul3A_114 : i32
      %add3A_116 = arith.addi %mul3A_2, %mul3A_115 : i32
      %dma_start3A_117 = tpu.memref_slice %arg3[%add3A_116] : memref<8388608xi32, #tpu.memory_space<hbm>> -> memref<16384xi32, #tpu.memory_space<hbm>>
      %dma_start3A_118 = tpu.memref_slice %arg3[%add3A_116] : memref<8388608xi32, #tpu.memory_space<hbm>> -> memref<16384xi32, #tpu.memory_space<hbm>>
      tpu.enqueue_dma source(%arg9 : memref<16384xi32, #tpu.memory_space<vmem>>) target(%dma_start3A_118 : memref<16384xi32, #tpu.memory_space<hbm>>) target_semaphore(%arg17 : memref<!tpu.dma_semaphore, #tpu.memory_space<semaphore_mem>>)
      %add3A_119 = arith.constant 4 : i32
      %add3A_120 = arith.addi %add3A_100, %add3A_119 : i32
      %lt3A_121 = arith.constant 16 : i32
      %lt3A_122 = arith.cmpi slt, %add3A_120, %lt3A_121 : i32
      %convert_element_type3A_123 = arith.extui %lt3A_122 : i1 to i32
      %cond3A_124 = arith.constant 0 : i32
      %cond3A_125 = arith.cmpi ne, %convert_element_type3A_123, %cond3A_124 : i32
      scf.if %cond3A_125 {
        %add3A_155 = arith.constant 4 : i32
        %add3A_156 = arith.addi %add3A_100, %add3A_155 : i32
        %mul3A_157 = arith.constant 16384 : i32
        %mul3A_158 = arith.muli %add3A_156, %mul3A_157 : i32
        %add3A_159 = arith.addi %mul3A_2, %mul3A_158 : i32
        %dma_start3A_160 = tpu.memref_slice %arg2[%add3A_159] : memref<8388608xf32, #tpu.memory_space<hbm>> -> memref<16384xf32, #tpu.memory_space<hbm>>
        %dma_start3A_161 = tpu.memref_slice %arg2[%add3A_159] : memref<8388608xf32, #tpu.memory_space<hbm>> -> memref<16384xf32, #tpu.memory_space<hbm>>
        tpu.enqueue_dma source(%dma_start3A_161 : memref<16384xf32, #tpu.memory_space<hbm>>) target(%arg7 : memref<16384xf32, #tpu.memory_space<vmem>>) target_semaphore(%arg15 : memref<!tpu.dma_semaphore, #tpu.memory_space<semaphore_mem>>)
      } else {
      }
      %mul3A_126 = arith.constant 4 : i32
      %mul3A_127 = arith.muli %scan3A_42, %mul3A_126 : i32
      %add3A_128 = arith.constant 3 : i32
      %add3A_129 = arith.addi %mul3A_127, %add3A_128 : i32
      %mul3A_130 = arith.constant 16384 : i32
      %mul3A_131 = arith.muli %add3A_129, %mul3A_130 : i32
      %add3A_132 = arith.addi %mul3A_2, %mul3A_131 : i32
      %dma_wait3A_133 = tpu.memref_slice %arg2[%add3A_132] : memref<8388608xf32, #tpu.memory_space<hbm>> -> memref<16384xf32, #tpu.memory_space<hbm>>
      %dma_wait3A_134 = tpu.memref_slice %arg2[%add3A_132] : memref<8388608xf32, #tpu.memory_space<hbm>> -> memref<16384xf32, #tpu.memory_space<hbm>>
      tpu.wait_dma2 semaphore(%arg16 : memref<!tpu.dma_semaphore, #tpu.memory_space<semaphore_mem>>) src(%dma_wait3A_134 : memref<16384xf32, #tpu.memory_space<hbm>>) dst(%arg8 : memref<16384xf32, #tpu.memory_space<vmem>>)
      %ge3A_135 = arith.constant 2 : i32
      %ge3A_136 = arith.cmpi sge, %add3A_129, %ge3A_135 : i32
      %convert_element_type3A_137 = arith.extui %ge3A_136 : i1 to i32
      %cond3A_138 = arith.constant 0 : i32
      %cond3A_139 = arith.cmpi ne, %convert_element_type3A_137, %cond3A_138 : i32
      scf.if %cond3A_139 {
        %mul3A_155 = arith.constant 16384 : i32
        %mul3A_156 = arith.muli %add3A_129, %mul3A_155 : i32
        %add3A_157 = arith.addi %mul3A_2, %mul3A_156 : i32
        %dma_wait3A_158 = tpu.memref_slice %arg3[%add3A_157] : memref<8388608xi32, #tpu.memory_space<hbm>> -> memref<16384xi32, #tpu.memory_space<hbm>>
        %dma_wait3A_159 = tpu.memref_slice %arg3[%add3A_157] : memref<8388608xi32, #tpu.memory_space<hbm>> -> memref<16384xi32, #tpu.memory_space<hbm>>
        tpu.wait_dma2 semaphore(%arg18 : memref<!tpu.dma_semaphore, #tpu.memory_space<semaphore_mem>>) src(%arg10 : memref<16384xi32, #tpu.memory_space<vmem>>) dst(%dma_wait3A_159 : memref<16384xi32, #tpu.memory_space<hbm>>)
      } else {
      }
      %parallel_loop3A_140 = arith.constant 0 : i32
      %parallel_loop3A_141 = arith.constant 1024 : i32
      %parallel_loop3A_142 = arith.constant 1 : i32
      scf.for %parallel_loop3A_155 = %parallel_loop3A_140 to %parallel_loop3A_141 step %parallel_loop3A_142  : i32 {
        %parallel_loop3A_156 = arith.constant 16 : i32
        %parallel_loop3A_157 = arith.muli %parallel_loop3A_155, %parallel_loop3A_156 : i32
        %parallel_loop3A_158 = arith.index_cast %parallel_loop3A_157 : i32 to index
        %parallel_loop3A_159 = tpu.vector_load %arg8[%parallel_loop3A_158] {strides = array<i32>} : memref<16384xf32, #tpu.memory_space<vmem>>, vector<16xf32>,
        %parallel_loop3A_160 = vector.shape_cast %parallel_loop3A_159 : vector<16xf32> to vector<16xf32>
        %parallel_loop3A_161 = arith.constant 0.000000e+00 : f32
        %parallel_loop3A_162 = vector.broadcast %parallel_loop3A_161 : f32 to vector<16xf32>
        %parallel_loop3A_163 = arith.cmpf oge, %parallel_loop3A_160, %parallel_loop3A_162 : vector<16xf32>
        %parallel_loop3A_164 = arith.constant 2.000000e+00 : f32
        %parallel_loop3A_165 = vector.broadcast %parallel_loop3A_164 : f32 to vector<16xf32>
        %parallel_loop3A_166 = arith.cmpf oge, %parallel_loop3A_160, %parallel_loop3A_165 : vector<16xf32>
        %parallel_loop3A_167 = arith.constant 4.000000e+00 : f32
        %parallel_loop3A_168 = vector.broadcast %parallel_loop3A_167 : f32 to vector<16xf32>
        %parallel_loop3A_169 = arith.cmpf oge, %parallel_loop3A_160, %parallel_loop3A_168 : vector<16xf32>
        %parallel_loop3A_170 = arith.constant 3 : i32
        %parallel_loop3A_171 = arith.constant 2 : i32
        %parallel_loop3A_172 = vector.broadcast %parallel_loop3A_170 : i32 to vector<16xi32>
        %parallel_loop3A_173 = vector.broadcast %parallel_loop3A_171 : i32 to vector<16xi32>
        %parallel_loop3A_174 = arith.select %parallel_loop3A_169, %parallel_loop3A_172, %parallel_loop3A_173 : vector<16xi1>, vector<16xi32>
        %parallel_loop3A_175 = arith.constant 1 : i32
        %parallel_loop3A_176 = vector.broadcast %parallel_loop3A_175 : i32 to vector<16xi32>
        %parallel_loop3A_177 = arith.select %parallel_loop3A_166, %parallel_loop3A_174, %parallel_loop3A_176 : vector<16xi1>, vector<16xi32>
        %parallel_loop3A_178 = arith.constant 0 : i32
        %parallel_loop3A_179 = vector.broadcast %parallel_loop3A_178 : i32 to vector<16xi32>
        %parallel_loop3A_180 = arith.select %parallel_loop3A_163, %parallel_loop3A_177, %parallel_loop3A_179 : vector<16xi1>, vector<16xi32>
        %parallel_loop3A_181 = arith.constant 16 : i32
        %parallel_loop3A_182 = arith.muli %parallel_loop3A_155, %parallel_loop3A_181 : i32
        %parallel_loop3A_183 = arith.index_cast %parallel_loop3A_182 : i32 to index
        %parallel_loop3A_184 = tpu.vector_load %arg10[%parallel_loop3A_183] {strides = array<i32>} : memref<16384xi32, #tpu.memory_space<vmem>>, vector<16xi32>,
        %parallel_loop3A_185 = vector.shape_cast %parallel_loop3A_184 : vector<16xi32> to vector<16xi32>
        %parallel_loop3A_186 = vector.shape_cast %parallel_loop3A_180 : vector<16xi32> to vector<16xi32>
        tpu.vector_store %arg10[%parallel_loop3A_183], %parallel_loop3A_186 {strides = array<i32>} : memref<16384xi32, #tpu.memory_space<vmem>>, vector<16xi32>,
      } {sc.loop_unroll_factor = 8 : i64, sc.parallel_access}
      %mul3A_143 = arith.constant 16384 : i32
      %mul3A_144 = arith.muli %add3A_129, %mul3A_143 : i32
      %add3A_145 = arith.addi %mul3A_2, %mul3A_144 : i32
      %dma_start3A_146 = tpu.memref_slice %arg3[%add3A_145] : memref<8388608xi32, #tpu.memory_space<hbm>> -> memref<16384xi32, #tpu.memory_space<hbm>>
      %dma_start3A_147 = tpu.memref_slice %arg3[%add3A_145] : memref<8388608xi32, #tpu.memory_space<hbm>> -> memref<16384xi32, #tpu.memory_space<hbm>>
      tpu.enqueue_dma source(%arg10 : memref<16384xi32, #tpu.memory_space<vmem>>) target(%dma_start3A_147 : memref<16384xi32, #tpu.memory_space<hbm>>) target_semaphore(%arg18 : memref<!tpu.dma_semaphore, #tpu.memory_space<semaphore_mem>>)
      %add3A_148 = arith.constant 4 : i32
      %add3A_149 = arith.addi %add3A_129, %add3A_148 : i32
      %lt3A_150 = arith.constant 16 : i32
      %lt3A_151 = arith.cmpi slt, %add3A_149, %lt3A_150 : i32
      %convert_element_type3A_152 = arith.extui %lt3A_151 : i1 to i32
      %cond3A_153 = arith.constant 0 : i32
      %cond3A_154 = arith.cmpi ne, %convert_element_type3A_152, %cond3A_153 : i32
      scf.if %cond3A_154 {
        %add3A_155 = arith.constant 4 : i32
        %add3A_156 = arith.addi %add3A_129, %add3A_155 : i32
        %mul3A_157 = arith.constant 16384 : i32
        %mul3A_158 = arith.muli %add3A_156, %mul3A_157 : i32
        %add3A_159 = arith.addi %mul3A_2, %mul3A_158 : i32
        %dma_start3A_160 = tpu.memref_slice %arg2[%add3A_159] : memref<8388608xf32, #tpu.memory_space<hbm>> -> memref<16384xf32, #tpu.memory_space<hbm>>
        %dma_start3A_161 = tpu.memref_slice %arg2[%add3A_159] : memref<8388608xf32, #tpu.memory_space<hbm>> -> memref<16384xf32, #tpu.memory_space<hbm>>
        tpu.enqueue_dma source(%dma_start3A_161 : memref<16384xf32, #tpu.memory_space<hbm>>) target(%arg8 : memref<16384xf32, #tpu.memory_space<vmem>>) target_semaphore(%arg16 : memref<!tpu.dma_semaphore, #tpu.memory_space<semaphore_mem>>)
      } else {
      }
    }
    %scan3A_32 = arith.constant 4 : i32
    %add3A_33 = arith.constant 229376 : i32
    %add3A_34 = arith.addi %mul3A_2, %add3A_33 : i32
    %dma_wait3A_35 = tpu.memref_slice %arg3[%add3A_34] : memref<8388608xi32, #tpu.memory_space<hbm>> -> memref<16384xi32, #tpu.memory_space<hbm>>
    %dma_wait3A_36 = tpu.memref_slice %arg3[%add3A_34] : memref<8388608xi32, #tpu.memory_space<hbm>> -> memref<16384xi32, #tpu.memory_space<hbm>>
    tpu.wait_dma2 semaphore(%arg17 : memref<!tpu.dma_semaphore, #tpu.memory_space<semaphore_mem>>) src(%arg9 : memref<16384xi32, #tpu.memory_space<vmem>>) dst(%dma_wait3A_36 : memref<16384xi32, #tpu.memory_space<hbm>>)
    %add3A_37 = arith.constant 245760 : i32
    %add3A_38 = arith.addi %mul3A_2, %add3A_37 : i32
    %dma_wait3A_39 = tpu.memref_slice %arg3[%add3A_38] : memref<8388608xi32, #tpu.memory_space<hbm>> -> memref<16384xi32, #tpu.memory_space<hbm>>
    %dma_wait3A_40 = tpu.memref_slice %arg3[%add3A_38] : memref<8388608xi32, #tpu.memory_space<hbm>> -> memref<16384xi32, #tpu.memory_space<hbm>>
    tpu.wait_dma2 semaphore(%arg18 : memref<!tpu.dma_semaphore, #tpu.memory_space<semaphore_mem>>) src(%arg10 : memref<16384xi32, #tpu.memory_space<vmem>>) dst(%dma_wait3A_40 : memref<16384xi32, #tpu.memory_space<hbm>>)
    %dma_wait3A_41 = tpu.memref_slice %arg4[%mul3A_2] : memref<8388608xf32, #tpu.memory_space<hbm>> -> memref<262144xf32, #tpu.memory_space<hbm>>
    tpu.wait_dma2 semaphore(%arg19 : memref<!tpu.dma_semaphore, #tpu.memory_space<semaphore_mem>>) src(%arg12 : memref<262144xf32, #tpu.memory_space<vmem_shared>>) dst(%dma_wait3A_41 : memref<262144xf32, #tpu.memory_space<hbm>>)
    return
  }
}

</mosaic_0001>

<sc_bundles>
// kernel: kernel.3.cloned.1.call-start
scs
__scs_entry_jumppad:
0x0: {  	(pc) =	sbr.rel $0x88, $3  }
0x1: {  	(tag) =	ssettag $0x0;
	lr =	simm.s32 $0x1  }
0x2: {  	[smem:$0x3FA0] =	sst lr;
	_ =	strace $0xD0000000  }
0x3: {  	_ = 	snop  }
0x4: {  	_ = 	snop  }
0x5: {  	_ = 	snop  }
0x6: {  	_ = 	snop  }
0x7: {  	_ = 	snop  }
__scs_overlays_trampoline_lowered:
0x8: {  	[smem:$0x3FAF] =	sst s0  }
0x9: {  	[smem:$0x3FB0] =	sst s1  }
0xa: {  	[smem:$0x3FB1] =	sst s2  }
0xb: {  	[smem:$0x3FB2] =	sst s3  }
0xc: {  	[smem:$0x3FB3] =	sst s4  }
0xd: {  	[smem:$0x3FB4] =	sst s5  }
0xe: {  	[smem:$0x3FB5] =	sst s6  }
0xf: {  	[smem:$0x3FB6] =	sst s7  }
0x10: {  	[smem:$0x3FB7] =	sst s8  }
0x11: {  	[smem:$0x3FB8] =	sst s9;
	s0 =	simm.s32 @!p0 $0x0  }
0x12: {  	s1 =	sld [smem:$0x3F9E];
	s0 =	simm.s32 @p0 $0x1  }
0x13: {  	[smem:$0x3FB9] =	sst s0;
	s0 =	simm.s32 @!p1 $0x0  }
0x14: {  	s2 =	sld [smem:$0x3F9D];
	s0 =	simm.s32 @p1 $0x1  }
0x15: {  	[smem:$0x3FBA] =	sst s0;
	s0 =	simm.s32 @!p2 $0x0  }
0x16: {  	s3 =	sld [smem:$0x3FDB];
	s0 =	simm.s32 @p2 $0x1  }
0x17: {  	s4 =	simm.s32 $0x1BF5;
	[smem:$0x3FBC] =	sst s0  }
0x18: {  	s0 =	sld [smem:$0x3F9F];
	_ =	swait.ge [sflag:s4], $0x0  }
0x19: {  	s7 =	sld [smem:$0x3FA0]  }
0x1a: {  	s8 =	sadd.s32 $0xFFFFE003, lr  }
0x1b: {  	s9 =	sadd.s32 $0xFFFFFEF7, lr;
	s5 =	simm.s32 $0xFFFFFFFF;
	p2 =	slt.u32 s8, $0xFFFFF086  }
0x1c: {  	p1 =	slt.u32 s9, $0xF7A;
	s5 =	simm.s32 @!p2 $0x0  }
0x1d: {  	s5 =	simm.s32 @p1 $0x1;
	p0 =	seq.s32 s7, s2  }
0x1e: {  	s7 =	smul.u32 @!p0 $0xF7A, s2;
	p2 =	seq.s32 @!p0 s5, $0x0  }
0x1f: {  	s9 =	smul.u32 $0xF7A, s1;
	s8 =	simm.s32 @!p0 $0x1BF5;
	p2 =	por !p2, p0  }
0x20: {  	[sflag:s8] =	ssyncset.s32 @!p0 $0xFFFFF086;
	s6 =	sadd.s32 @!p0 s3, s7;
	s7 =	simm.s32 @!p0 $0x108  }
0x21: {  	s3 =	sadd.s32 s3, s9;
	s6 =	sadd.s32 @!p0 $0x88, s6;
	s7 =	simm.s32 @p2 $0x1082  }
0x22: {  	[simem:s7], [sflag:s8] =	dma.local @!p0 [hbm:s6], $0xF7A  }
0x23: {  	s9 =	sor.u32 $0xD0000000, s2;
	s6 =	simm.s32 $0x108;
	_ =	swait.ge @!p0 [sflag:s8], $0x0  }
0x24: {  	s3 =	sadd.s32 $0x88, s3;
	s6 =	simm.s32 @!p1 $0x1082;
	[sflag:s4] =	ssyncset.s32 $0xFFFFF086  }
0x25: {  	[simem:s6], [sflag:s4] =	dma.local [hbm:s3], $0xF7A  }
0x26: {  	[smem:$0x3FA0] =	sst s1;
	(tag) =	ssettag s2;
	_ =	strace s9  }
0x27: {  	s1 =	sld [smem:$0x3FB0]  }
0x28: {  	s2 =	sld [smem:$0x3FB1]  }
0x29: {  	s4 =	sld [smem:$0x3FB3]  }
0x2a: {  	p0 =	seq.s32 s5, $0x0;
	s5 =	sld [smem:$0x3FB4]  }
0x2b: {  	s6 =	sld [smem:$0x3FB5]  }
0x2c: {  	s7 =	sld [smem:$0x3FB6]  }
0x2d: {  	s3 =	simm.s32 $0x108;
	s8 =	sld [smem:$0x3FB7]  }
0x2e: {  	s3 =	simm.s32 @!p0 $0x1082;
	s9 =	sld [smem:$0x3FB8]  }
0x2f: {  	lr =	sadd.s32 s0, s3;
	s0 =	sld [smem:$0x3FAF]  }
0x30: {  	s3 =	sld [smem:$0x3FB2]  }
0x31: {  	[smem:$0x3FBB] =	sst s10  }
0x32: {  	s10 =	sld [smem:$0x3FB9];
	_ =	sdelay $0x3  }
0x33: {  	p0 =	seq.s32 s10, $0x1;
	s10 =	sld [smem:$0x3FBB];
	_ =	sdelay $0x3  }
0x34: {  	[smem:$0x3FBB] =	sst s10  }
0x35: {  	s10 =	sld [smem:$0x3FBA];
	_ =	sdelay $0x3  }
0x36: {  	p1 =	seq.s32 s10, $0x1;
	s10 =	sld [smem:$0x3FBB];
	_ =	sdelay $0x3  }
0x37: {  	[smem:$0x3FBB] =	sst s10  }
0x38: {  	s10 =	sld [smem:$0x3FBC]  }
0x39: {  	_ = 	snop;
	(pc) =	sbr.ind lr, $3  }
0x3a: {  	_ = 	snop  }
0x3b: {  	_ = 	snop  }
0x3c: {  	p2 =	seq.s32 s10, $0x1;
	s10 =	sld [smem:$0x3FBB]  }
0x3d: {  	_ =	shalt  }
0x3e: {  	_ =	shalt  }
0x3f: {  	_ =	shalt  }
0x40: {  	_ =	shalt  }
0x41: {  	_ =	shalt  }
0x42: {  	_ =	shalt  }
0x43: {  	_ =	shalt  }
0x44: {  	_ =	shalt  }
0x45: {  	_ =	shalt  }
0x46: {  	_ =	shalt  }
0x47: {  	_ =	shalt  }
0x48: {  	_ =	shalt  }
0x49: {  	_ =	shalt  }
0x4a: {  	_ =	shalt  }
0x4b: {  	_ =	shalt  }
0x4c: {  	_ =	shalt  }
0x4d: {  	_ =	shalt  }
0x4e: {  	_ =	shalt  }
0x4f: {  	_ =	shalt  }
0x50: {  	_ =	shalt  }
0x51: {  	_ =	shalt  }
0x52: {  	_ =	shalt  }
0x53: {  	_ =	shalt  }
0x54: {  	_ =	shalt  }
0x55: {  	_ =	shalt  }
0x56: {  	_ =	shalt  }
0x57: {  	_ =	shalt  }
0x58: {  	_ =	shalt  }
0x59: {  	_ =	shalt  }
0x5a: {  	_ =	shalt  }
0x5b: {  	_ =	shalt  }
0x5c: {  	_ =	shalt  }
0x5d: {  	_ =	shalt  }
0x5e: {  	_ =	shalt  }
0x5f: {  	_ =	shalt  }
0x60: {  	_ =	shalt  }
0x61: {  	_ =	shalt  }
0x62: {  	_ =	shalt  }
0x63: {  	_ =	shalt  }
0x64: {  	_ =	shalt  }
0x65: {  	_ =	shalt  }
0x66: {  	_ =	shalt  }
0x67: {  	_ =	shalt  }
0x68: {  	_ =	shalt  }
0x69: {  	_ =	shalt  }
0x6a: {  	_ =	shalt  }
0x6b: {  	_ =	shalt  }
0x6c: {  	_ =	shalt  }
0x6d: {  	_ =	shalt  }
0x6e: {  	_ =	shalt  }
0x6f: {  	_ =	shalt  }
0x70: {  	_ =	shalt  }
0x71: {  	_ =	shalt  }
0x72: {  	_ =	shalt  }
0x73: {  	_ =	shalt  }
0x74: {  	_ =	shalt  }
0x75: {  	_ =	shalt  }
0x76: {  	_ =	shalt  }
0x77: {  	_ =	shalt  }
0x78: {  	_ =	shalt  }
0x79: {  	_ =	shalt  }
0x7a: {  	_ =	shalt  }
0x7b: {  	_ =	shalt  }
0x7c: {  	_ =	shalt  }
0x7d: {  	_ =	shalt  }
0x7e: {  	_ =	shalt  }
0x7f: {  	_ =	shalt  }
0x80: {  	_ =	shalt  }
0x81: {  	_ =	shalt  }
0x82: {  	_ =	shalt  }
0x83: {  	_ =	shalt  }
0x84: {  	_ =	shalt  }
0x85: {  	_ =	shalt  }
0x86: {  	_ =	shalt  }
0x87: {  	_ =	shalt  }
.Lfunc_end0:
.L_simem_size_0:
called_computation_lowered:
.L_overlay_start_0:
0x88: {  	s2 =	sld [smem:$0x3FD9]  }
0x89: {  	s3 =	sld [smem:$0x3FFE];
	_ =	sdelay $0x1  }
0x8a: {  	s1 =	srdreg.scid  }
0x8b: {  	s0 =	sand.u32 $0x1, s1  }
0x8c: {  	s15 =	sshll.u32 s0, $0xA;
	s2 =	sadd.s32 s3, s2  }
0x8d: {  	s2 =	sadd.s32 s2, s15  }
0x8e: {  	[smem:$0x3FC7] =	sst s2  }
0x8f: {  	_ = 	snop  }
0x90: {  	s2 =	sld [smem:$0x3FD0];
	_ =	sdelay $0x2  }
0x91: {  	s4 =	simm.s32 $0xA;
	s5 =	simm.s32 $0x10;
	s16 =	sld [smem:$0x3FC9]  }
0x92: {  	[smem:s5], [sflag:s4] =	dma.local [hbm:s2], $0x1  }
0x93: {  	_ =	swait.eq [sflag:s4], $0x1  }
0x94: {  	[sflag:s4] =	ssyncset.done $0x0  }
0x95: {  	s17 =	sld [smem:$0x10];
	[sflag:s4] =	ssyncadd.s32 $0xFFFFFFFF  }
0x96: {  	s18 =	sld [smem:$0x11];
	(tm) =	ssettm $0x1  }
0x97: {  	s19 =	sld [smem:$0x3FFB];
	_ =	sdelay $0x3  }
0x98: {  	_ =	strace s19  }
0x99: {  	s5 =	sld [smem:$0x3FFC];
	_ =	sdelay $0x3  }
0x9a: {  	_ =	strace s5  }
0x9b: {  	s5 =	sld [smem:$0x3FFD];
	_ =	sdelay $0x3  }
0x9c: {  	_ =	strace s5  }
0x9d: {  	_ =	strace $0x8FFFFFFF  }
0x9e: {  	s20 =	sld [smem:$0x3FDB];
	_ =	sdelay $0x1  }
0x9f: {  	s6 =	simm.s32 $_scs_section_size  }
0xa0: {  	s7 =	simm.s32 $_size__tile_overlayer_lowered;
	s8 =	simm.s32 $_tile_overlayer_lowered  }
0xa1: {  	s23 =	simm.s32 $0x1BFF;
	s22 =	sshll.u32 s8, $0x1;
	s5 =	sadd.s32 s6, s20  }
0xa2: {  	s9 =	simm.s32 $0x0;
	s21 =	sshll.u32 s7, $0x1;
	s7 =	sadd.s32 s22, s5  }
0xa3: {  	[timem:s9], [sflag:s23] =	dma.local [hbm:s7], s21  }
0xa4: {  	_ =	swait.ge [sflag:s23], s21  }
0xa5: {  	s6 =	ssub.s32 $0x0, s21;
	[sflag:s23] =	ssyncset.done $0x0  }
0xa6: {  	[sflag:s23] =	ssyncadd.s32 s6;
	_ =	sdelay $0x1  }
0xa7: {  	s24 =	simm.s32 $0x1B8B  }
0xa8: {  	_ =	swait.ge [sflag:s24], $0x1  }
0xa9: {  	[sflag:s24] =	ssyncset.done $0x0  }
0xaa: {  	s25 =	simm.s32 $0x1B8E;
	[sflag:s24] =	ssyncadd.s32 $0xFFFFFFFF  }
0xab: {  	s26 =	simm.s32 $execute0_lowered;
	[smem:$0x3FD2] =	sst s25  }
0xac: {  	s6 =	sshll.u32 s26, $0x1;
	_ =	strace $0x80000046;
	[dreg:$0x1] =	wrdreg $0xFFFFFFFF  }
0xad: {  	s28 =	simm.s32 $_size_execute0_lowered;
	s5 =	sadd.s32 s5, s6;
	[dreg:$0x0] =	wrdreg $0x0  }
0xae: {  	s6 =	sshll.u32 s28, $0x1;
	[dreg:$0x2] =	wrdreg s5  }
0xaf: {  	[dreg:$0x3] =	wrdreg s6  }
0xb0: {  	[dreg:$0x4] =	wrdreg $0xC0  }
0xb1: {  	_ =	task [dreg:s9], $0x5FFFF  }
0xb2: {  	[dreg:$0x1] =	wrdreg $0xFFFFFFFF  }
0xb3: {  	[dreg:$0x0] =	wrdreg $0x60  }
0xb4: {  	[dreg:$0x2] =	wrdreg s16  }
0xb5: {  	[dreg:$0x3] =	wrdreg s17  }
0xb6: {  	[dreg:$0x4] =	wrdreg s18  }
0xb7: {  	[dreg:$0x5] =	wrdreg $0x1C0000  }
0xb8: {  	[dreg:$0x6] =	wrdreg $0x9  }
0xb9: {  	_ =	task.clear_ibuf [dreg:s9], $0x7FFFF;
	_ =	strace $0x90000046  }
0xba: {  	s29 =	simm.s32 $0x9;
	_ =	strace $0x80000048  }
0xbb: {  	_ =	swait.ge [sflag:s29], $0x1  }
0xbc: {  	[sflag:s29] =	ssyncadd.s32 $0xFFFFFFFF  }
0xbd: {  	_ =	strace $0x90000048  }
0xbe: {  	_ =	sfence  }
0xbf: {  	s30 =	sld [smem:$0x0];
	_ =	sdelay $0x2  }
0xc0: {  	s31 =	sshll.u32 s1, $0xD;
	s1 =	sshrl.u32 s1, $0x2  }
0xc1: {  	s3 =	sand.u32 $0x4000, s31;
	s1 =	sadd.s32 s1, s30  }
0xc2: {  	s0 =	sor.u32 s3, s0;
	s1 =	sshll.u32 s1, $0x11  }
0xc3: {  	s0 =	sor.u32 s1, s0  }
0xc4: {  	s0 =	sadd.s32 $0x8F2B, s0  }
0xc5: {  	[sflag:s0] =	ssyncadd.remote.s32 $0x1  }
0xc6: {  	_ =	sfence.sel $0xFFFF  }
0xc7: {  	[dreg:$0x0] =	wrdreg $0xFFFFFFFF;
	(pc) =	sbr.abs _section_cstart, $3  }
0xc8: {  	[dreg:$0x1] =	wrdreg $0xFFFFFFFF  }
0xc9: {  	_ =	task.clear_ibuf [dreg:s9], $0x2FFFF;
	_ =	strace $0x9FFFFFFF  }
0xca: {  	(tm) =	ssettm $0x7FFFFFFF  }
0xcb: {  	_ =	shalt  }
tec
execute0_lowered:
.L_overlay_start_1:
0x0: {  	(tag) =	ssettag $0x1  }
0x1: {  	s1 =	rddreg [dreg:$0x0]  }
0x2: {  	s2 =	rddreg [dreg:$0x1];
	s0 =	srdreg.scid  }
0x3: {  	s3 =	rddreg [dreg:$0x2];
	s10 =	stileid.u32  }
0x4: {  	s7 =	rddreg [dreg:$0x3];
	s4 =	simm.s32 $0x0;
	s19 =	simm.s32 $0xC000  }
0x5: {  	s21 =	simm.s32 $0x8;
	s28 =	simm.s32 $0x6;
	s29 =	simm.s32 $0x14000  }
0x6: {  	s30 =	simm.s32 $0x3;
	s31 =	simm.s32 $0x5;
	s17 =	simm.s32 $0x0  }
0x7: {  	s0 =	sand.u32 $0x1, s0;
	s5 =	sshll.u32 s10, $0x13;
	[smem:$0x7FF] =	sst s4  }
0x8: {  	s24 =	sshll.u32 s10, $0xE;
	s26 =	sshll.u32 s10, $0x6;
	s6 =	sshll.u32 s0, $0x12  }
0x9: {  	s0 =	ssub.s32 $0x2, s0;
	_ =	strace $0x80000047;
	s22 =	sor.u32 $0x1C07, s26  }
0xa: {  	s26 =	simm.s32 $0x2;
	s5 =	sor.u32 s6, s5;
	s9 =	sshrl.u32 s0, $0x1  }
0xb: {  	s8 =	sshrl.u32 s5, $0x3;
	s0 =	ssub.s32 s0, s9;
	s9 =	sadd.s32 s24, s7  }
0xc: {  	s12 =	sor.u32 $0x10000, s5;
	s13 =	sor.u32 $0x14000, s5;
	s14 =	sor.u32 $0x18000, s5  }
0xd: {  	s15 =	sor.u32 $0x1C000, s5;
	s24 =	simm.s32 $0x1;
	s6 =	sadd.s32 s1, s8  }
.Ltmp0:
0xe: {  	[dreg:$0x8] =	wrdreg s9;
	s3 =	sadd.s32 s3, s8;
	(pc) =	sbr.rel .LBB2_1-.Ltmp0, $4  }
0xf: {  	s16 =	smax.u32 s0, $0x1;
	s23 =	sadd.s32 $0x800, s6;
	[dreg:$0x9] =	wrdreg s3  }
0x10: {  	s0 =	simm.s32 $0x7;
	s11 =	sadd.s32 $0x1000, s6;
	[dreg:$0x5] =	wrdreg s23  }
0x11: {  	s25 =	sadd.s32 $0x1800, s6;
	s3 =	simm.s32 $0x4;
	[dreg:$0x6] =	wrdreg s11  }
0x12: {  	v0 =	vimm.f32 $1.000000000e+00;
	v1 =	vimm.s32 $0x2;
	[dreg:$0x7] =	wrdreg s25;
	s23 =	sshrl.u32 s7, $0x3;
	s25 =	simm.s32 $0x10000  }
.LBB2_18:
0x13: {  	_ =	swait.ge [sflag:s31], $0x4000  }
0x14: {  	[sflag:s31] =	ssyncset.done $0x0  }
0x15: {  	s17 =	sadd.s32 $0x1, s17;
	[sflag:s31] =	ssyncadd.s32 $0xFFFFC000  }
0x16: {  	p0 =	sne.s32 s17, s16;
	_ =	swait.ge [sflag:s28], $0x4000  }
.Ltmp1:
0x17: {  	[sflag:s28] =	ssyncset.done $0x0;
	(pc) =	sbr.rel @!p0 .LBB2_19-.Ltmp1, $4  }
0x18: {  	[sflag:s28] =	ssyncadd.s32 $0xFFFFC000  }
0x19: {  	_ =	swait.ge [sflag:s0], $0x8000  }
0x1a: {  	[sflag:s0] =	ssyncset.done $0x0  }
0x1b: {  	[sflag:s0] =	ssyncadd.s32 $0xFFFF8000  }
.LBB2_1:
0x1c: {  	[tilespmem:s4], [sflag:$0x1] =	stream.linear.gather [hbm4b:s6+s4], $0x4000, $0x38;
	v63 =	vld [tilespmem:$0x0]  }
0x1d: {  	s7 =	rddreg [dreg:$0x5];
	s8 =	simm.s32 $0x4000  }
0x1e: {  	[tilespmem:s8], [sflag:$0x2] =	stream.linear.gather [hbm4b:s7+s4], $0x4000, $0x38;
	v63 =	vld [tilespmem:$0x0]  }
0x1f: {  	s11 =	rddreg [dreg:$0x6];
	s18 =	simm.s32 $0x8000  }
0x20: {  	[tilespmem:s18], [sflag:$0x3] =	stream.linear.gather [hbm4b:s11+s4], $0x4000, $0x38;
	v63 =	vld [tilespmem:$0x0]  }
0x21: {  	s20 =	rddreg [dreg:$0x7];
	s7 =	simm.s32 $0x18040  }
0x22: {  	[tilespmem:s19], [sflag:$0x4] =	stream.linear.gather [hbm4b:s20+s4], $0x4000, $0x38;
	v63 =	vld [tilespmem:$0x0]  }
0x23: {  	[tilespmem:s7+$0xFFFFFFC0] =	vst v0  }
0x24: {  	[tilespmem:s7+$0x30] =	vst v0  }
0x25: {  	[tilespmem:s7+$0x20] =	vst v0  }
0x26: {  	[tilespmem:s7+$0x10] =	vst v0  }
0x27: {  	[tilespmem:s7+$0x0] =	vst v0  }
0x28: {  	[tilespmem:s7+$0xFFFFFFF0] =	vst v0  }
0x29: {  	s8 =	simm.s32 $0x0;
	[tilespmem:s7+$0xFFFFFFE0] =	vst v0  }
.LBB2_2:
0x2a: {  	s8 =	sadd.s32 $0x8, s8;
	[tilespmem:s7+$0xFFFFFFD0] =	vst v0;
	s7 =	sadd.s32 $0x80, s7  }
0x2b: {  	[tilespmem:s7+$0xFFFFFFC0] =	vst v0;
	p0 =	slt.u32 s8, $0x3F8  }
0x2c: {  	[tilespmem:s7+$0x30] =	vst v0  }
.Ltmp2:
0x2d: {  	[tilespmem:s7+$0x20] =	vst v0;
	(pc) =	sbr.rel @p0 .LBB2_2-.Ltmp2, $4  }
0x2e: {  	[tilespmem:s7+$0x10] =	vst v0  }
0x2f: {  	[tilespmem:s7+$0x0] =	vst v0  }
0x30: {  	[tilespmem:s7+$0xFFFFFFF0] =	vst v0  }
0x31: {  	[tilespmem:s7+$0xFFFFFFE0] =	vst v0  }
0x32: {  	[tilespmem:s7+$0xFFFFFFD0] =	vst v0  }
0x33: {  	s8 =	simm.s32 $0x18000;
	s7 =	rddreg [dreg:$0x8]  }
0x34: {  	[spmem:s7] =	stream.linear.scatter [tilespmem:s8], [sflag:$0x8], $0x4000, $0x38;
	v63 =	vld [tilespmem:$0x0]  }
0x35: {  	_ =	swait.ge [sflag:s21], $0x4000  }
0x36: {  	[sflag:s21] =	ssyncset.done $0x0  }
0x37: {  	[sflag:s21] =	ssyncadd.s32 $0xFFFFC000  }
0x38: {  	[bflag:$0x0] =	sbarrier.arrive $0xFFFF  }
0x39: {  	s18 =	simm.s32 $0x0;
	s20 =	rddreg [dreg:$0x9]  }
0x3a: {  	[hbm:s20], [sflag:s22] =	dma.local [spmem:s23], $0x8000  }
.LBB2_4:
0x3b: {  	_ =	swait.ge [sflag:s24], $0x4000  }
0x3c: {  	p0 =	seq.s32 s18, $0x0;
	[sflag:s24] =	ssyncset.done $0x0  }
0x3d: {  	s7 =	simm.s32 @!p0 $0x5;
	[sflag:s24] =	ssyncadd.s32 $0xFFFFC000  }
0x3e: {  	_ =	swait.ge @!p0 [sflag:s7], $0x4000  }
0x3f: {  	[sflag:s7] =	ssyncset.done @!p0 $0x0  }
0x40: {  	s20 =	simm.s32 $0x40;
	[sflag:s7] =	ssyncadd.s32 @!p0 $0xFFFFC000  }
0x41: {  	v9 =	vld [tilespmem:s20+$0x30]  }
0x42: {  	v2 =	vld [tilespmem:s20+$0xFFFFFFD0]  }
0x43: {  	v3 =	vld [tilespmem:s20+$0xFFFFFFE0]  }
0x44: {  	v4 =	vld [tilespmem:s20+$0xFFFFFFF0];
	_ =	sdelay $0x1  }
0x45: {  	v5 =	vld [tilespmem:s20+$0x0]  }
0x46: {  	v8 =	vld [tilespmem:s20+$0xFFFFFFC0];
	vm0 =	vge.f32 v9, $4.000000000e+00  }
0x47: {  	vm1 =	vge.f32 v2, $4.000000000e+00;
	vm2 =	vge.f32 v9, $2.000000000e+00;
	vm3 =	vge.f32 v9, $0.0e+00  }
0x48: {  	v6 =	vld [tilespmem:s20+$0x10];
	vm4 =	vge.f32 v3, $2.000000000e+00;
	vm5 =	vge.f32 v4, $2.000000000e+00;
	v10 =	vsel vm0, $0x3, v1  }
0x49: {  	v7 =	vld [tilespmem:s20+$0x20];
	vm0 =	vge.f32 v3, $4.000000000e+00;
	v12 =	vsel vm1, $0x3, v1;
	vm1 =	vge.f32 v4, $4.000000000e+00  }
0x4a: {  	v9 =	vnsel vm2, $0x1, v10;
	v16 =	vsel vm0, $0x3, v1;
	v17 =	vsel vm1, $0x3, v1  }
0x4b: {  	vm0 =	vge.f32 v5, $4.000000000e+00;
	vm2 =	vge.f32 v8, $2.000000000e+00;
	vm1 =	vge.f32 v8, $4.000000000e+00  }
0x4c: {  	v14 =	vnsel vm3, $0x0, v9;
	vm3 =	vge.f32 v2, $2.000000000e+00;
	v9 =	vsel vm0, $0x3, v1  }
0x4d: {  	vm0 =	vge.f32 v6, $4.000000000e+00;
	v13 =	vsel vm1, $0x3, v1;
	vm1 =	vge.f32 v5, $2.000000000e+00  }
0x4e: {  	s8 =	simm.s32 $0x10040;
	v10 =	vsel vm0, $0x3, v1;
	vm0 =	vge.f32 v7, $4.000000000e+00;
	v13 =	vnsel vm2, $0x1, v13  }
0x4f: {  	s10 =	simm.s32 $0x0;
	s20 =	sshll.u32 s18, $0x10;
	vm2 =	vge.f32 v6, $2.000000000e+00;
	[tilespmem:s8+$0x30] =	vst v14;
	v15 =	vnsel vm3, $0x1, v12;
	v14 =	vnsel vm4, $0x1, v16  }
0x50: {  	s11 =	simm.s32 $0xC0;
	s9 =	simm.s32 $0x10040;
	s7 =	sor.u32 s5, s20;
	v12 =	vnsel vm5, $0x1, v17;
	v11 =	vsel vm0, $0x3, v1;
	vm0 =	vge.f32 v7, $2.000000000e+00  }
.LBB2_5:
0x51: {  	v16 =	vld [tilespmem:s11+$0x30];
	s10 =	sadd.s32 $0x8, s10;
	v9 =	vnsel vm1, $0x1, v9;
	v10 =	vnsel vm2, $0x1, v10;
	v11 =	vnsel vm0, $0x1, v11  }
0x52: {  	vm0 =	vge.f32 v8, $0.0e+00;
	vm1 =	vge.f32 v2, $0.0e+00;
	vm2 =	vge.f32 v3, $0.0e+00;
	p1 =	slt.u32 s10, $0x3F8;
	v2 =	vld [tilespmem:s11+$0xFFFFFFD0]  }
0x53: {  	vm3 =	vge.f32 v4, $0.0e+00;
	vm4 =	vge.f32 v5, $0.0e+00;
	vm5 =	vge.f32 v6, $0.0e+00;
	v3 =	vld [tilespmem:s11+$0xFFFFFFE0]  }
0x54: {  	v6 =	vnsel vm0, $0x0, v13;
	v8 =	vnsel vm1, $0x0, v15;
	vm0 =	vge.f32 v7, $0.0e+00;
	v4 =	vld [tilespmem:s11+$0xFFFFFFF0]  }
0x55: {  	v13 =	vnsel vm2, $0x0, v14;
	v12 =	vnsel vm3, $0x0, v12;
	v9 =	vnsel vm4, $0x0, v9;
	v5 =	vld [tilespmem:s11+$0x0];
	[tilespmem:s8+$0xFFFFFFC0] =	vst v6  }
0x56: {  	v10 =	vnsel vm5, $0x0, v10;
	v11 =	vnsel vm0, $0x0, v11;
	v6 =	vld [tilespmem:s11+$0x10];
	vm1 =	vge.f32 v16, $4.000000000e+00;
	[tilespmem:s8+$0xFFFFFFD0] =	vst v8  }
0x57: {  	vm2 =	vge.f32 v16, $2.000000000e+00;
	vm0 =	vge.f32 v2, $4.000000000e+00;
	v7 =	vld [tilespmem:s11+$0x20];
	v14 =	vsel vm1, $0x3, v1;
	[tilespmem:s8+$0xFFFFFFE0] =	vst v13  }
0x58: {  	vm3 =	vge.f32 v16, $0.0e+00;
	v8 =	vld [tilespmem:s11+$0xFFFFFFC0];
	vm1 =	vge.f32 v3, $4.000000000e+00;
	v13 =	vnsel vm2, $0x1, v14;
	[tilespmem:s8+$0xFFFFFFF0] =	vst v12  }
0x59: {  	v12 =	vsel vm0, $0x3, v1;
	s8 =	sadd.s32 $0x80, s8;
	vm0 =	vge.f32 v4, $4.000000000e+00;
	v13 =	vnsel vm3, $0x0, v13;
	[tilespmem:s9+$0x0] =	vst v9  }
0x5a: {  	v14 =	vsel vm1, $0x3, v1;
	v16 =	vsel vm0, $0x3, v1;
	vm0 =	vge.f32 v5, $4.000000000e+00;
	[tilespmem:s8+$0x30] =	vst v13  }
0x5b: {  	vm3 =	vge.f32 v2, $2.000000000e+00;
	v9 =	vsel vm0, $0x3, v1;
	vm0 =	vge.f32 v6, $4.000000000e+00;
	[tilespmem:s9+$0x10] =	vst v10  }
.Ltmp3:
0x5c: {  	vm4 =	vge.f32 v3, $2.000000000e+00;
	v10 =	vsel vm0, $0x3, v1;
	vm0 =	vge.f32 v7, $4.000000000e+00;
	[tilespmem:s9+$0x20] =	vst v11;
	s9 =	smov.u32 s8;
	(pc) =	sbr.rel @p1 .LBB2_5-.Ltmp3, $4  }
0x5d: {  	vm2 =	vge.f32 v8, $2.000000000e+00;
	vm1 =	vge.f32 v8, $4.000000000e+00;
	v11 =	vsel vm0, $0x3, v1  }
0x5e: {  	vm5 =	vge.f32 v4, $2.000000000e+00;
	v13 =	vsel vm1, $0x3, v1;
	vm1 =	vge.f32 v5, $2.000000000e+00  }
0x5f: {  	vm0 =	vge.f32 v7, $2.000000000e+00;
	v13 =	vnsel vm2, $0x1, v13;
	vm2 =	vge.f32 v6, $2.000000000e+00  }
0x60: {  	s11 =	sadd.s32 $0x80, s11;
	v15 =	vnsel vm3, $0x1, v12;
	v14 =	vnsel vm4, $0x1, v14;
	v12 =	vnsel vm5, $0x1, v16  }
0x61: {  	vm3 =	vge.f32 v8, $0.0e+00  }
0x62: {  	vm4 =	vge.f32 v2, $0.0e+00;
	v2 =	vnsel vm3, $0x0, v13  }
0x63: {  	vm11 =	vge.f32 v3, $0.0e+00;
	vm12 =	vge.f32 v4, $0.0e+00;
	v3 =	vnsel vm4, $0x0, v15;
	[tilespmem:s8+$0xFFFFFFC0] =	vst v2  }
0x64: {  	v4 =	vnsel vm12, $0x0, v12;
	[tilespmem:s8+$0xFFFFFFD0] =	vst v3  }
0x65: {  	vm13 =	vge.f32 v5, $0.0e+00;
	p1 =	sne.s32 s18, $0x3;
	v2 =	vnsel vm11, $0x0, v14;
	v3 =	vnsel vm1, $0x1, v9;
	[tilespmem:s8+$0xFFFFFFF0] =	vst v4  }
.Ltmp4:
0x66: {  	vm14 =	vge.f32 v6, $0.0e+00;
	[tilespmem:s8+$0xFFFFFFE0] =	vst v2;
	v2 =	vnsel vm2, $0x1, v10;
	v3 =	vnsel vm13, $0x0, v3;
	(pc) =	sbr.rel @p1 .LBB2_8-.Ltmp4, $4  }
0x67: {  	v62 =	vnsel vm0, $0x1, v11;
	vm15 =	vge.f32 v7, $0.0e+00;
	v2 =	vnsel vm14, $0x0, v2;
	[tilespmem:s9+$0x0] =	vst v3  }
0x68: {  	s7 =	sshrl.u32 s7, $0x3;
	v3 =	vnsel vm15, $0x0, v62;
	[tilespmem:s9+$0x10] =	vst v2  }
0x69: {  	s11 =	sadd.s32 s2, s7;
	[tilespmem:s9+$0x20] =	vst v3  }
0x6a: {  	[hbm4b:s11+s4] =	stream.linear.scatter [tilespmem:s25], [sflag:$0x5], $0x4000, $0x38;
	v63 =	vld [tilespmem:$0x0]  }
.Ltmp5:
0x6b: {  	(pc) =	sbr.rel .LBB2_9-.Ltmp5, $4  }
0x6c: {  	_ = 	snop  }
0x6d: {  	_ =	swait.ge [sflag:s26], $0x4000  }
0x6e: {  	[sflag:s26] =	ssyncset.done $0x0  }
0x6f: {  	[sflag:s26] =	ssyncadd.s32 $0xFFFFC000  }
.LBB2_8:
0x70: {  	s8 =	sadd.s32 s20, s12  }
0x71: {  	s8 =	sshrl.u32 s8, $0x3  }
.Ltmp6:
0x72: {  	s8 =	sadd.s32 s1, s8;
	(pc) =	sbr.rel @p0 .LBB2_10-.Ltmp6, $4  }
0x73: {  	[tilespmem:s4], [sflag:$0x1] =	stream.linear.gather [hbm4b:s8+s4], $0x4000, $0x38;
	v63 =	vld [tilespmem:$0x0]  }
0x74: {  	_ =	swait.ge [sflag:s26], $0x4000  }
0x75: {  	[sflag:s26] =	ssyncset.done $0x0  }
0x76: {  	[sflag:s26] =	ssyncadd.s32 $0xFFFFC000  }
.LBB2_9:
0x77: {  	_ =	swait.ge [sflag:s28], $0x4000  }
0x78: {  	[sflag:s28] =	ssyncset.done $0x0  }
0x79: {  	[sflag:s28] =	ssyncadd.s32 $0xFFFFC000  }
.LBB2_10:
0x7a: {  	s8 =	simm.s32 $0x4040  }
0x7b: {  	v9 =	vld [tilespmem:s8+$0x30]  }
0x7c: {  	v2 =	vld [tilespmem:s8+$0xFFFFFFD0]  }
0x7d: {  	v3 =	vld [tilespmem:s8+$0xFFFFFFE0]  }
0x7e: {  	v4 =	vld [tilespmem:s8+$0xFFFFFFF0];
	_ =	sdelay $0x1  }
0x7f: {  	v5 =	vld [tilespmem:s8+$0x0]  }
0x80: {  	v8 =	vld [tilespmem:s8+$0xFFFFFFC0];
	vm0 =	vge.f32 v9, $4.000000000e+00  }
0x81: {  	vm1 =	vge.f32 v2, $4.000000000e+00;
	vm2 =	vge.f32 v9, $2.000000000e+00;
	vm3 =	vge.f32 v9, $0.0e+00  }
0x82: {  	v6 =	vld [tilespmem:s8+$0x10];
	vm4 =	vge.f32 v3, $2.000000000e+00;
	vm5 =	vge.f32 v4, $2.000000000e+00;
	v10 =	vsel vm0, $0x3, v1  }
0x83: {  	v7 =	vld [tilespmem:s8+$0x20];
	vm0 =	vge.f32 v3, $4.000000000e+00;
	v12 =	vsel vm1, $0x3, v1;
	vm1 =	vge.f32 v4, $4.000000000e+00  }
0x84: {  	v9 =	vnsel vm2, $0x1, v10;
	v16 =	vsel vm0, $0x3, v1;
	v17 =	vsel vm1, $0x3, v1  }
0x85: {  	vm0 =	vge.f32 v5, $4.000000000e+00;
	vm2 =	vge.f32 v8, $2.000000000e+00;
	vm1 =	vge.f32 v8, $4.000000000e+00  }
0x86: {  	v14 =	vnsel vm3, $0x0, v9;
	vm3 =	vge.f32 v2, $2.000000000e+00;
	v9 =	vsel vm0, $0x3, v1  }
0x87: {  	vm0 =	vge.f32 v6, $4.000000000e+00;
	v13 =	vsel vm1, $0x3, v1;
	vm1 =	vge.f32 v5, $2.000000000e+00  }
0x88: {  	s8 =	simm.s32 $0x14040;
	v10 =	vsel vm0, $0x3, v1;
	vm0 =	vge.f32 v7, $4.000000000e+00;
	v13 =	vnsel vm2, $0x1, v13  }
0x89: {  	vm2 =	vge.f32 v6, $2.000000000e+00;
	[tilespmem:s8+$0x30] =	vst v14;
	v15 =	vnsel vm3, $0x1, v12;
	v14 =	vnsel vm4, $0x1, v16  }
0x8a: {  	s10 =	simm.s32 $0x0;
	s11 =	simm.s32 $0x40C0;
	s9 =	simm.s32 $0x14040;
	v12 =	vnsel vm5, $0x1, v17;
	v11 =	vsel vm0, $0x3, v1;
	vm0 =	vge.f32 v7, $2.000000000e+00  }
.LBB2_11:
0x8b: {  	v16 =	vld [tilespmem:s11+$0x30];
	s10 =	sadd.s32 $0x8, s10;
	v9 =	vnsel vm1, $0x1, v9;
	v10 =	vnsel vm2, $0x1, v10;
	v11 =	vnsel vm0, $0x1, v11  }
0x8c: {  	vm0 =	vge.f32 v8, $0.0e+00;
	vm1 =	vge.f32 v2, $0.0e+00;
	vm2 =	vge.f32 v3, $0.0e+00;
	p0 =	slt.u32 s10, $0x3F8;
	v2 =	vld [tilespmem:s11+$0xFFFFFFD0]  }
0x8d: {  	vm3 =	vge.f32 v4, $0.0e+00;
	vm4 =	vge.f32 v5, $0.0e+00;
	vm5 =	vge.f32 v6, $0.0e+00;
	v3 =	vld [tilespmem:s11+$0xFFFFFFE0]  }
0x8e: {  	v6 =	vnsel vm0, $0x0, v13;
	v8 =	vnsel vm1, $0x0, v15;
	vm0 =	vge.f32 v7, $0.0e+00;
	v4 =	vld [tilespmem:s11+$0xFFFFFFF0]  }
0x8f: {  	v13 =	vnsel vm2, $0x0, v14;
	v12 =	vnsel vm3, $0x0, v12;
	v9 =	vnsel vm4, $0x0, v9;
	v5 =	vld [tilespmem:s11+$0x0];
	[tilespmem:s8+$0xFFFFFFC0] =	vst v6  }
0x90: {  	v10 =	vnsel vm5, $0x0, v10;
	v11 =	vnsel vm0, $0x0, v11;
	v6 =	vld [tilespmem:s11+$0x10];
	vm1 =	vge.f32 v16, $4.000000000e+00;
	[tilespmem:s8+$0xFFFFFFD0] =	vst v8  }
0x91: {  	vm2 =	vge.f32 v16, $2.000000000e+00;
	vm0 =	vge.f32 v2, $4.000000000e+00;
	v7 =	vld [tilespmem:s11+$0x20];
	v14 =	vsel vm1, $0x3, v1;
	[tilespmem:s8+$0xFFFFFFE0] =	vst v13  }
0x92: {  	vm3 =	vge.f32 v16, $0.0e+00;
	v8 =	vld [tilespmem:s11+$0xFFFFFFC0];
	vm1 =	vge.f32 v3, $4.000000000e+00;
	v13 =	vnsel vm2, $0x1, v14;
	[tilespmem:s8+$0xFFFFFFF0] =	vst v12  }
0x93: {  	v12 =	vsel vm0, $0x3, v1;
	s8 =	sadd.s32 $0x80, s8;
	vm0 =	vge.f32 v4, $4.000000000e+00;
	v13 =	vnsel vm3, $0x0, v13;
	[tilespmem:s9+$0x0] =	vst v9  }
0x94: {  	v14 =	vsel vm1, $0x3, v1;
	v16 =	vsel vm0, $0x3, v1;
	vm0 =	vge.f32 v5, $4.000000000e+00;
	[tilespmem:s8+$0x30] =	vst v13  }
0x95: {  	vm3 =	vge.f32 v2, $2.000000000e+00;
	v9 =	vsel vm0, $0x3, v1;
	vm0 =	vge.f32 v6, $4.000000000e+00;
	[tilespmem:s9+$0x10] =	vst v10  }
.Ltmp7:
0x96: {  	vm4 =	vge.f32 v3, $2.000000000e+00;
	v10 =	vsel vm0, $0x3, v1;
	vm0 =	vge.f32 v7, $4.000000000e+00;
	[tilespmem:s9+$0x20] =	vst v11;
	s9 =	smov.u32 s8;
	(pc) =	sbr.rel @p0 .LBB2_11-.Ltmp7, $4  }
0x97: {  	vm2 =	vge.f32 v8, $2.000000000e+00;
	vm1 =	vge.f32 v8, $4.000000000e+00;
	v11 =	vsel vm0, $0x3, v1  }
0x98: {  	vm5 =	vge.f32 v4, $2.000000000e+00;
	v13 =	vsel vm1, $0x3, v1;
	vm1 =	vge.f32 v5, $2.000000000e+00  }
0x99: {  	vm0 =	vge.f32 v7, $2.000000000e+00;
	v13 =	vnsel vm2, $0x1, v13;
	vm2 =	vge.f32 v6, $2.000000000e+00  }
0x9a: {  	s11 =	sadd.s32 $0x80, s11;
	v15 =	vnsel vm3, $0x1, v12;
	v14 =	vnsel vm4, $0x1, v14;
	v12 =	vnsel vm5, $0x1, v16  }
0x9b: {  	vm3 =	vge.f32 v8, $0.0e+00  }
0x9c: {  	vm4 =	vge.f32 v2, $0.0e+00;
	v2 =	vnsel vm3, $0x0, v13  }
0x9d: {  	vm14 =	vge.f32 v4, $0.0e+00;
	vm3 =	vge.f32 v3, $0.0e+00;
	v3 =	vnsel vm4, $0x0, v15;
	[tilespmem:s8+$0xFFFFFFC0] =	vst v2  }
0x9e: {  	v4 =	vnsel vm14, $0x0, v12;
	[tilespmem:s8+$0xFFFFFFD0] =	vst v3  }
0x9f: {  	v2 =	vnsel vm3, $0x0, v14;
	v3 =	vnsel vm1, $0x1, v9;
	vm1 =	vge.f32 v5, $0.0e+00;
	[tilespmem:s8+$0xFFFFFFF0] =	vst v4  }
0xa0: {  	[tilespmem:s8+$0xFFFFFFE0] =	vst v2;
	v2 =	vnsel vm2, $0x1, v10;
	vm2 =	vge.f32 v6, $0.0e+00;
	v3 =	vnsel vm1, $0x0, v3  }
0xa1: {  	p0 =	seq.s32 s18, $0x3;
	v4 =	vnsel vm0, $0x1, v11;
	vm0 =	vge.f32 v7, $0.0e+00;
	v2 =	vnsel vm2, $0x0, v2;
	[tilespmem:s9+$0x0] =	vst v3  }
0xa2: {  	s7 =	sadd.s32 s7, s2;
	s8 =	sadd.s32 @!p0 s20, s13;
	v3 =	vnsel vm0, $0x0, v4;
	[tilespmem:s9+$0x10] =	vst v2  }
0xa3: {  	s10 =	sadd.s32 $0x800, s7;
	s8 =	sshrl.u32 @!p0 s8, $0x3;
	[tilespmem:s9+$0x20] =	vst v3  }
0xa4: {  	[hbm4b:s10+s4] =	stream.linear.scatter [tilespmem:s29], [sflag:$0x6], $0x4000, $0x38;
	v63 =	vld [tilespmem:$0x0]  }
0xa5: {  	s8 =	sadd.s32 @!p0 s1, s8;
	s9 =	simm.s32 @!p0 $0x0;
	s10 =	simm.s32 @!p0 $0x4000  }
0xa6: {  	[tilespmem:s10], [sflag:$0x2] =	stream.linear.gather @!p0 [hbm4b:s8+s9], $0x4000, $0x38;
	v63 =	vld [tilespmem:$0x0]  }
0xa7: {  	_ =	swait.ge [sflag:s30], $0x4000  }
0xa8: {  	[sflag:s30] =	ssyncset.done $0x0  }
0xa9: {  	[sflag:s30] =	ssyncadd.s32 $0xFFFFC000  }
0xaa: {  	_ =	swait.ge [sflag:s31], $0x4000  }
0xab: {  	[sflag:s31] =	ssyncset.done $0x0  }
0xac: {  	s11 =	simm.s32 $0x8040;
	[sflag:s31] =	ssyncadd.s32 $0xFFFFC000  }
0xad: {  	v9 =	vld [tilespmem:s11+$0x30]  }
0xae: {  	v2 =	vld [tilespmem:s11+$0xFFFFFFD0]  }
0xaf: {  	v3 =	vld [tilespmem:s11+$0xFFFFFFE0]  }
0xb0: {  	v4 =	vld [tilespmem:s11+$0xFFFFFFF0];
	_ =	sdelay $0x1  }
0xb1: {  	v5 =	vld [tilespmem:s11+$0x0]  }
0xb2: {  	v8 =	vld [tilespmem:s11+$0xFFFFFFC0];
	vm0 =	vge.f32 v9, $4.000000000e+00  }
0xb3: {  	vm1 =	vge.f32 v2, $4.000000000e+00;
	vm2 =	vge.f32 v9, $2.000000000e+00;
	vm3 =	vge.f32 v9, $0.0e+00  }
0xb4: {  	v6 =	vld [tilespmem:s11+$0x10];
	vm15 =	vge.f32 v3, $2.000000000e+00;
	vm5 =	vge.f32 v4, $2.000000000e+00;
	v10 =	vsel vm0, $0x3, v1  }
0xb5: {  	v7 =	vld [tilespmem:s11+$0x20];
	vm0 =	vge.f32 v3, $4.000000000e+00;
	v12 =	vsel vm1, $0x3, v1;
	vm1 =	vge.f32 v4, $4.000000000e+00  }
0xb6: {  	v9 =	vnsel vm2, $0x1, v10;
	v16 =	vsel vm0, $0x3, v1;
	v17 =	vsel vm1, $0x3, v1  }
0xb7: {  	vm0 =	vge.f32 v5, $4.000000000e+00;
	vm2 =	vge.f32 v8, $2.000000000e+00;
	vm1 =	vge.f32 v8, $4.000000000e+00  }
0xb8: {  	v14 =	vnsel vm3, $0x0, v9;
	vm3 =	vge.f32 v2, $2.000000000e+00;
	v9 =	vsel vm0, $0x3, v1  }
0xb9: {  	vm0 =	vge.f32 v6, $4.000000000e+00;
	v13 =	vsel vm1, $0x3, v1;
	vm1 =	vge.f32 v5, $2.000000000e+00  }
0xba: {  	s8 =	simm.s32 $0x10040;
	v10 =	vsel vm0, $0x3, v1;
	vm0 =	vge.f32 v7, $4.000000000e+00;
	v13 =	vnsel vm2, $0x1, v13  }
0xbb: {  	vm2 =	vge.f32 v6, $2.000000000e+00;
	[tilespmem:s8+$0x30] =	vst v14;
	v15 =	vnsel vm3, $0x1, v12;
	v14 =	vnsel vm15, $0x1, v16  }
0xbc: {  	s10 =	simm.s32 $0x0;
	s9 =	simm.s32 $0x10040;
	s11 =	simm.s32 $0x80C0;
	v12 =	vnsel vm5, $0x1, v17;
	v11 =	vsel vm0, $0x3, v1;
	vm0 =	vge.f32 v7, $2.000000000e+00  }
.LBB2_13:
0xbd: {  	v16 =	vld [tilespmem:s11+$0x30];
	s10 =	sadd.s32 $0x8, s10;
	v9 =	vnsel vm1, $0x1, v9;
	v10 =	vnsel vm2, $0x1, v10;
	v11 =	vnsel vm0, $0x1, v11  }
0xbe: {  	vm0 =	vge.f32 v8, $0.0e+00;
	vm1 =	vge.f32 v2, $0.0e+00;
	vm2 =	vge.f32 v3, $0.0e+00;
	p1 =	slt.u32 s10, $0x3F8;
	v2 =	vld [tilespmem:s11+$0xFFFFFFD0]  }
0xbf: {  	vm3 =	vge.f32 v4, $0.0e+00;
	vm4 =	vge.f32 v5, $0.0e+00;
	vm5 =	vge.f32 v6, $0.0e+00;
	v3 =	vld [tilespmem:s11+$0xFFFFFFE0]  }
0xc0: {  	v6 =	vnsel vm0, $0x0, v13;
	v8 =	vnsel vm1, $0x0, v15;
	vm0 =	vge.f32 v7, $0.0e+00;
	v4 =	vld [tilespmem:s11+$0xFFFFFFF0]  }
0xc1: {  	v13 =	vnsel vm2, $0x0, v14;
	v12 =	vnsel vm3, $0x0, v12;
	v9 =	vnsel vm4, $0x0, v9;
	v5 =	vld [tilespmem:s11+$0x0];
	[tilespmem:s8+$0xFFFFFFC0] =	vst v6  }
0xc2: {  	v10 =	vnsel vm5, $0x0, v10;
	v11 =	vnsel vm0, $0x0, v11;
	v6 =	vld [tilespmem:s11+$0x10];
	vm1 =	vge.f32 v16, $4.000000000e+00;
	[tilespmem:s8+$0xFFFFFFD0] =	vst v8  }
0xc3: {  	vm2 =	vge.f32 v16, $2.000000000e+00;
	vm0 =	vge.f32 v2, $4.000000000e+00;
	v7 =	vld [tilespmem:s11+$0x20];
	v14 =	vsel vm1, $0x3, v1;
	[tilespmem:s8+$0xFFFFFFE0] =	vst v13  }
0xc4: {  	vm3 =	vge.f32 v16, $0.0e+00;
	v8 =	vld [tilespmem:s11+$0xFFFFFFC0];
	vm1 =	vge.f32 v3, $4.000000000e+00;
	v13 =	vnsel vm2, $0x1, v14;
	[tilespmem:s8+$0xFFFFFFF0] =	vst v12  }
0xc5: {  	v12 =	vsel vm0, $0x3, v1;
	s8 =	sadd.s32 $0x80, s8;
	vm0 =	vge.f32 v4, $4.000000000e+00;
	v13 =	vnsel vm3, $0x0, v13;
	[tilespmem:s9+$0x0] =	vst v9  }
0xc6: {  	v14 =	vsel vm1, $0x3, v1;
	v16 =	vsel vm0, $0x3, v1;
	vm0 =	vge.f32 v5, $4.000000000e+00;
	[tilespmem:s8+$0x30] =	vst v13  }
0xc7: {  	vm3 =	vge.f32 v2, $2.000000000e+00;
	v9 =	vsel vm0, $0x3, v1;
	vm0 =	vge.f32 v6, $4.000000000e+00;
	[tilespmem:s9+$0x10] =	vst v10  }
.Ltmp8:
0xc8: {  	vm4 =	vge.f32 v3, $2.000000000e+00;
	v10 =	vsel vm0, $0x3, v1;
	vm0 =	vge.f32 v7, $4.000000000e+00;
	[tilespmem:s9+$0x20] =	vst v11;
	s9 =	smov.u32 s8;
	(pc) =	sbr.rel @p1 .LBB2_13-.Ltmp8, $4  }
0xc9: {  	vm2 =	vge.f32 v8, $2.000000000e+00;
	vm1 =	vge.f32 v8, $4.000000000e+00;
	v11 =	vsel vm0, $0x3, v1  }
0xca: {  	vm5 =	vge.f32 v4, $2.000000000e+00;
	v13 =	vsel vm1, $0x3, v1;
	vm1 =	vge.f32 v5, $2.000000000e+00  }
0xcb: {  	vm0 =	vge.f32 v7, $2.000000000e+00;
	v13 =	vnsel vm2, $0x1, v13;
	vm2 =	vge.f32 v6, $2.000000000e+00  }
0xcc: {  	s11 =	sadd.s32 $0x80, s11;
	v15 =	vnsel vm3, $0x1, v12;
	v14 =	vnsel vm4, $0x1, v14;
	v12 =	vnsel vm5, $0x1, v16  }
0xcd: {  	vm3 =	vge.f32 v8, $0.0e+00  }
0xce: {  	vm4 =	vge.f32 v2, $0.0e+00;
	v2 =	vnsel vm3, $0x0, v13  }
0xcf: {  	vm14 =	vge.f32 v4, $0.0e+00;
	vm3 =	vge.f32 v3, $0.0e+00;
	v3 =	vnsel vm4, $0x0, v15;
	[tilespmem:s8+$0xFFFFFFC0] =	vst v2  }
0xd0: {  	v4 =	vnsel vm14, $0x0, v12;
	[tilespmem:s8+$0xFFFFFFD0] =	vst v3  }
0xd1: {  	v2 =	vnsel vm3, $0x0, v14;
	v3 =	vnsel vm1, $0x1, v9;
	vm1 =	vge.f32 v5, $0.0e+00;
	[tilespmem:s8+$0xFFFFFFF0] =	vst v4  }
0xd2: {  	[tilespmem:s8+$0xFFFFFFE0] =	vst v2;
	v2 =	vnsel vm2, $0x1, v10;
	vm2 =	vge.f32 v6, $0.0e+00;
	v3 =	vnsel vm1, $0x0, v3  }
0xd3: {  	v4 =	vnsel vm0, $0x1, v11;
	vm0 =	vge.f32 v7, $0.0e+00;
	v2 =	vnsel vm2, $0x0, v2;
	[tilespmem:s9+$0x0] =	vst v3  }
0xd4: {  	s8 =	sadd.s32 @!p0 s20, s14;
	v3 =	vnsel vm0, $0x0, v4;
	[tilespmem:s9+$0x10] =	vst v2  }
0xd5: {  	s10 =	sadd.s32 $0x1000, s7;
	s8 =	sshrl.u32 @!p0 s8, $0x3;
	[tilespmem:s9+$0x20] =	vst v3  }
0xd6: {  	[hbm4b:s10+s4] =	stream.linear.scatter [tilespmem:s25], [sflag:$0x5], $0x4000, $0x38;
	v63 =	vld [tilespmem:$0x0]  }
0xd7: {  	s8 =	sadd.s32 @!p0 s1, s8;
	s9 =	simm.s32 @!p0 $0x0;
	s10 =	simm.s32 @!p0 $0x8000  }
0xd8: {  	[tilespmem:s10], [sflag:$0x3] =	stream.linear.gather @!p0 [hbm4b:s8+s9], $0x4000, $0x38;
	v63 =	vld [tilespmem:$0x0]  }
0xd9: {  	_ =	swait.ge [sflag:s3], $0x4000  }
0xda: {  	[sflag:s3] =	ssyncset.done $0x0  }
0xdb: {  	[sflag:s3] =	ssyncadd.s32 $0xFFFFC000  }
0xdc: {  	_ =	swait.ge [sflag:s28], $0x4000  }
0xdd: {  	[sflag:s28] =	ssyncset.done $0x0  }
0xde: {  	s11 =	simm.s32 $0xC040;
	[sflag:s28] =	ssyncadd.s32 $0xFFFFC000  }
0xdf: {  	v9 =	vld [tilespmem:s11+$0x30]  }
0xe0: {  	v2 =	vld [tilespmem:s11+$0xFFFFFFD0]  }
0xe1: {  	v3 =	vld [tilespmem:s11+$0xFFFFFFE0]  }
0xe2: {  	v4 =	vld [tilespmem:s11+$0xFFFFFFF0];
	_ =	sdelay $0x1  }
0xe3: {  	v5 =	vld [tilespmem:s11+$0x0]  }
0xe4: {  	v8 =	vld [tilespmem:s11+$0xFFFFFFC0];
	vm0 =	vge.f32 v9, $4.000000000e+00  }
0xe5: {  	vm1 =	vge.f32 v2, $4.000000000e+00;
	vm2 =	vge.f32 v9, $2.000000000e+00;
	vm3 =	vge.f32 v9, $0.0e+00  }
0xe6: {  	v6 =	vld [tilespmem:s11+$0x10];
	vm15 =	vge.f32 v3, $2.000000000e+00;
	vm5 =	vge.f32 v4, $2.000000000e+00;
	v10 =	vsel vm0, $0x3, v1  }
0xe7: {  	v7 =	vld [tilespmem:s11+$0x20];
	vm0 =	vge.f32 v3, $4.000000000e+00;
	v12 =	vsel vm1, $0x3, v1;
	vm1 =	vge.f32 v4, $4.000000000e+00  }
0xe8: {  	v9 =	vnsel vm2, $0x1, v10;
	v16 =	vsel vm0, $0x3, v1;
	v17 =	vsel vm1, $0x3, v1  }
0xe9: {  	vm0 =	vge.f32 v5, $4.000000000e+00;
	vm2 =	vge.f32 v8, $2.000000000e+00;
	vm1 =	vge.f32 v8, $4.000000000e+00  }
0xea: {  	v14 =	vnsel vm3, $0x0, v9;
	vm3 =	vge.f32 v2, $2.000000000e+00;
	v9 =	vsel vm0, $0x3, v1  }
0xeb: {  	vm0 =	vge.f32 v6, $4.000000000e+00;
	v13 =	vsel vm1, $0x3, v1;
	vm1 =	vge.f32 v5, $2.000000000e+00  }
0xec: {  	s8 =	simm.s32 $0x14040;
	v10 =	vsel vm0, $0x3, v1;
	vm0 =	vge.f32 v7, $4.000000000e+00;
	v13 =	vnsel vm2, $0x1, v13  }
0xed: {  	vm2 =	vge.f32 v6, $2.000000000e+00;
	[tilespmem:s8+$0x30] =	vst v14;
	v15 =	vnsel vm3, $0x1, v12;
	v14 =	vnsel vm15, $0x1, v16  }
0xee: {  	s10 =	simm.s32 $0x0;
	s9 =	simm.s32 $0x14040;
	s11 =	simm.s32 $0xC0C0;
	v12 =	vnsel vm5, $0x1, v17;
	v11 =	vsel vm0, $0x3, v1;
	vm0 =	vge.f32 v7, $2.000000000e+00  }
.LBB2_15:
0xef: {  	v16 =	vld [tilespmem:s11+$0x30];
	s10 =	sadd.s32 $0x8, s10;
	v9 =	vnsel vm1, $0x1, v9;
	v10 =	vnsel vm2, $0x1, v10;
	v11 =	vnsel vm0, $0x1, v11  }
0xf0: {  	vm0 =	vge.f32 v8, $0.0e+00;
	vm1 =	vge.f32 v2, $0.0e+00;
	vm2 =	vge.f32 v3, $0.0e+00;
	p1 =	slt.u32 s10, $0x3F8;
	v2 =	vld [tilespmem:s11+$0xFFFFFFD0]  }
0xf1: {  	vm3 =	vge.f32 v4, $0.0e+00;
	vm4 =	vge.f32 v5, $0.0e+00;
	vm5 =	vge.f32 v6, $0.0e+00;
	v3 =	vld [tilespmem:s11+$0xFFFFFFE0]  }
0xf2: {  	v6 =	vnsel vm0, $0x0, v13;
	v8 =	vnsel vm1, $0x0, v15;
	vm0 =	vge.f32 v7, $0.0e+00;
	v4 =	vld [tilespmem:s11+$0xFFFFFFF0]  }
0xf3: {  	v13 =	vnsel vm2, $0x0, v14;
	v12 =	vnsel vm3, $0x0, v12;
	v9 =	vnsel vm4, $0x0, v9;
	v5 =	vld [tilespmem:s11+$0x0];
	[tilespmem:s8+$0xFFFFFFC0] =	vst v6  }
0xf4: {  	v10 =	vnsel vm5, $0x0, v10;
	v11 =	vnsel vm0, $0x0, v11;
	v6 =	vld [tilespmem:s11+$0x10];
	vm1 =	vge.f32 v16, $4.000000000e+00;
	[tilespmem:s8+$0xFFFFFFD0] =	vst v8  }
0xf5: {  	vm2 =	vge.f32 v16, $2.000000000e+00;
	vm0 =	vge.f32 v2, $4.000000000e+00;
	v7 =	vld [tilespmem:s11+$0x20];
	v14 =	vsel vm1, $0x3, v1;
	[tilespmem:s8+$0xFFFFFFE0] =	vst v13  }
0xf6: {  	vm3 =	vge.f32 v16, $0.0e+00;
	v8 =	vld [tilespmem:s11+$0xFFFFFFC0];
	vm1 =	vge.f32 v3, $4.000000000e+00;
	v13 =	vnsel vm2, $0x1, v14;
	[tilespmem:s8+$0xFFFFFFF0] =	vst v12  }
0xf7: {  	v12 =	vsel vm0, $0x3, v1;
	s8 =	sadd.s32 $0x80, s8;
	vm0 =	vge.f32 v4, $4.000000000e+00;
	v13 =	vnsel vm3, $0x0, v13;
	[tilespmem:s9+$0x0] =	vst v9  }
0xf8: {  	v14 =	vsel vm1, $0x3, v1;
	v16 =	vsel vm0, $0x3, v1;
	vm0 =	vge.f32 v5, $4.000000000e+00;
	[tilespmem:s8+$0x30] =	vst v13  }
0xf9: {  	vm3 =	vge.f32 v2, $2.000000000e+00;
	v9 =	vsel vm0, $0x3, v1;
	vm0 =	vge.f32 v6, $4.000000000e+00;
	[tilespmem:s9+$0x10] =	vst v10  }
.Ltmp9:
0xfa: {  	vm4 =	vge.f32 v3, $2.000000000e+00;
	v10 =	vsel vm0, $0x3, v1;
	vm0 =	vge.f32 v7, $4.000000000e+00;
	[tilespmem:s9+$0x20] =	vst v11;
	s9 =	smov.u32 s8;
	(pc) =	sbr.rel @p1 .LBB2_15-.Ltmp9, $4  }
0xfb: {  	vm2 =	vge.f32 v8, $2.000000000e+00;
	vm1 =	vge.f32 v8, $4.000000000e+00;
	v11 =	vsel vm0, $0x3, v1  }
0xfc: {  	vm5 =	vge.f32 v4, $2.000000000e+00;
	v13 =	vsel vm1, $0x3, v1;
	vm1 =	vge.f32 v5, $2.000000000e+00  }
0xfd: {  	vm0 =	vge.f32 v7, $2.000000000e+00;
	v13 =	vnsel vm2, $0x1, v13;
	vm2 =	vge.f32 v6, $2.000000000e+00  }
0xfe: {  	s11 =	sadd.s32 $0x80, s11;
	v15 =	vnsel vm3, $0x1, v12;
	v14 =	vnsel vm4, $0x1, v14;
	v12 =	vnsel vm5, $0x1, v16  }
0xff: {  	vm3 =	vge.f32 v8, $0.0e+00  }
0x100: {  	vm4 =	vge.f32 v2, $0.0e+00;
	v2 =	vnsel vm3, $0x0, v13  }
0x101: {  	vm11 =	vge.f32 v3, $0.0e+00;
	vm12 =	vge.f32 v4, $0.0e+00;
	v3 =	vnsel vm4, $0x0, v15;
	[tilespmem:s8+$0xFFFFFFC0] =	vst v2  }
0x102: {  	v4 =	vnsel vm12, $0x0, v12;
	[tilespmem:s8+$0xFFFFFFD0] =	vst v3  }
0x103: {  	vm13 =	vge.f32 v5, $0.0e+00;
	v2 =	vnsel vm11, $0x0, v14;
	v3 =	vnsel vm1, $0x1, v9;
	[tilespmem:s8+$0xFFFFFFF0] =	vst v4  }
.Ltmp10:
0x104: {  	vm14 =	vge.f32 v6, $0.0e+00;
	[tilespmem:s8+$0xFFFFFFE0] =	vst v2;
	v2 =	vnsel vm2, $0x1, v10;
	v3 =	vnsel vm13, $0x0, v3;
	(pc) =	sbr.rel @p0 .LBB2_18-.Ltmp10, $4  }
0x105: {  	v62 =	vnsel vm0, $0x1, v11;
	vm15 =	vge.f32 v7, $0.0e+00;
	v2 =	vnsel vm14, $0x0, v2;
	[tilespmem:s9+$0x0] =	vst v3  }
0x106: {  	v3 =	vnsel vm15, $0x0, v62;
	[tilespmem:s9+$0x10] =	vst v2  }
0x107: {  	s7 =	sadd.s32 $0x1800, s7;
	[tilespmem:s9+$0x20] =	vst v3  }
0x108: {  	[hbm4b:s7+s4] =	stream.linear.scatter [tilespmem:s29], [sflag:$0x6], $0x4000, $0x38;
	v63 =	vld [tilespmem:$0x0]  }
.Ltmp11:
0x109: {  	(pc) =	sbr.rel .LBB2_4-.Ltmp11, $4  }
0x10a: {  	s7 =	sadd.s32 s20, s15  }
0x10b: {  	s7 =	sshrl.u32 s7, $0x3  }
0x10c: {  	s18 =	sadd.s32 $0x1, s18;
	s7 =	sadd.s32 s1, s7  }
0x10d: {  	[tilespmem:s19], [sflag:$0x4] =	stream.linear.gather [hbm4b:s7+s4], $0x4000, $0x38;
	v63 =	vld [tilespmem:$0x0]  }
.LBB2_19:
0x10e: {  	_ =	sfence.sel $0x180000  }
0x10f: {  	[bflag:$0x0] =	sbarrier.arrive $0xFFFF  }
0x110: {  	_ =	strace $0x90000047  }
0x111: {  	s0 =	stileid.u32;
	[bflag:$0x2] =	sbarrier.arrive $0xFFFF  }
0x112: {  	p0 =	sne.s32 s0, $0x0;
	s0 =	rddreg [dreg:$0x4]  }
0x113: {  	s0 =	sadd.s32 @!p0 $0x100000, s0  }
0x114: {  	[sflag:s0] =	ssyncadd.tile.s32 @!p0 $0x1;
	_ =	shalt  }
.Lfunc_end2:
_tile_overlayer_lowered:
.L_overlay_start_2:
0x115: {  	(tag) =	ssettag $0x2  }
0x116: {  	s0 =	rddreg [dreg:$0x0];
	s2 =	stileid.u32  }
0x117: {  	s1 =	rddreg [dreg:$0x1];
	p0 =	sne.s32 s2, $0x0  }
0x118: {  	s3 =	rddreg [dreg:$0x2];
	[bflag:$0x3] =	sbarrier.arrive $0xFFFF;
	s2 =	simm.s32 @!p0 $0x1C09  }
0x119: {  	[timem:s3], [sflag:s2] =	dma.local @!p0 [hbm:s0], s1  }
0x11a: {  	s0 =	simm.s32 @!p0 $0x9  }
0x11b: {  	_ =	swait.ge @!p0 [sflag:s0], s1  }
0x11c: {  	s1 =	ssub.s32 @!p0 $0x0, s1;
	[sflag:s0] =	ssyncset.done @!p0 $0x0  }
0x11d: {  	[sflag:s0] =	ssyncadd.s32 @!p0 s1  }
0x11e: {  	[bflag:$0x3] =	sbarrier.arrive $0xFFFF  }
0x11f: {  	_ =	shalt  }

</sc_bundles>
